<compile_context>
chip_gen: v7x
topology: tpu7x:2x2x1
jax: 0.10.2.dev20260603
libtpu: 0.0.44.dev20260713+nightly
codegen_flags: <defaults>
</compile_context>

<pallas_src>
import jax
import jax.numpy as jnp
from jax import lax
from jax.experimental import pallas as pl
from jax.experimental.pallas import tpu as pltpu
from jax.experimental.pallas import tpu_sc as plsc

NUM_CORES = 2
NUM_SUBCORES = 16
NW = NUM_CORES * NUM_SUBCORES

SEQ_ROWS = 16384
SEQ_COLS = 50
D = 64
V = 1000000
B = SEQ_ROWS * SEQ_COLS
B_PER_W = B // NW
CHUNK = 512
N_CHUNKS = B_PER_W // CHUNK
VBLK = 2048


def _wtr_body(in_ref, out_ref):
    x = in_ref[...].T.reshape(VBLK // 2, 2, D)
    out_ref[...] = jnp.concatenate([x[:, 0, :], x[:, 1, :]], axis=1)


def _body(seq_hbm, table_hbm, out_hbm, idx_v, rows_v, gsem0, gsem1, ssem0,
          ssem1):
    wid = lax.axis_index("s") * NUM_CORES + lax.axis_index("c")
    base = wid * B_PER_W

    pltpu.sync_copy(seq_hbm.at[pl.ds(base, B_PER_W)], idx_v)

    def g_copy(i, b, sem):
        return pltpu.make_async_copy(
            table_hbm.at[idx_v.at[pl.ds(i * CHUNK, CHUNK)]],
            rows_v.at[b], sem)

    def s_copy(i, b, sem):
        return pltpu.make_async_copy(
            rows_v.at[b], out_hbm.at[pl.ds(base + i * CHUNK, CHUNK)], sem)

    N, P = N_CHUNKS, N_CHUNKS // 2

    g_copy(0, 0, gsem0).start()
    g_copy(0, 0, gsem0).wait()
    s_copy(0, 0, ssem0).start()
    g_copy(1, 1, gsem1).start()
    g_copy(1, 1, gsem1).wait()
    s_copy(1, 1, ssem1).start()
    s_copy(0, 0, ssem0).wait()
    g_copy(2, 0, gsem0).start()

    def pair(p, carry):
        i0 = 2 * p
        g_copy(i0, 0, gsem0).wait()
        s_copy(i0, 0, ssem0).start()
        s_copy(i0 - 1, 1, ssem1).wait()
        g_copy(i0 + 1, 1, gsem1).start()
        g_copy(i0 + 1, 1, gsem1).wait()
        s_copy(i0 + 1, 1, ssem1).start()
        s_copy(i0, 0, ssem0).wait()
        g_copy(i0 + 2, 0, gsem0).start()
        return carry

    lax.fori_loop(1, P - 1, pair, 0)

    i0 = N - 2
    g_copy(i0, 0, gsem0).wait()
    s_copy(i0, 0, ssem0).start()
    s_copy(i0 - 1, 1, ssem1).wait()
    g_copy(i0 + 1, 1, gsem1).start()
    g_copy(i0 + 1, 1, gsem1).wait()
    s_copy(i0 + 1, 1, ssem1).start()
    s_copy(i0, 0, ssem0).wait()
    s_copy(i0 + 1, 1, ssem1).wait()


@jax.jit
def _embed(sequence, weight):
    mesh = plsc.VectorSubcoreMesh(
        core_axis_name="c", subcore_axis_name="s",
        num_cores=NUM_CORES, num_subcores=NUM_SUBCORES)

    gather_k = pl.kernel(
        _body,
        out_type=jax.ShapeDtypeStruct((B, D), jnp.float32),
        mesh=mesh,
        scratch_types=[
            pltpu.VMEM((B_PER_W,), jnp.int32),
            pltpu.VMEM((2, CHUNK, D), jnp.float32),
            pltpu.SemaphoreType.DMA,
            pltpu.SemaphoreType.DMA,
            pltpu.SemaphoreType.DMA,
            pltpu.SemaphoreType.DMA,
        ],
        compiler_params=pltpu.CompilerParams(use_tc_tiling_on_sc=False),
    )
    wpacked = pl.pallas_call(
        _wtr_body,
        grid=(pl.cdiv(V, VBLK),),
        in_specs=[pl.BlockSpec((D, VBLK), lambda i: (0, i))],
        out_specs=pl.BlockSpec((VBLK // 2, 2 * D), lambda i: (i, 0)),
        out_shape=jax.ShapeDtypeStruct((V // 2, 2 * D), jnp.float32),
    )(weight.T)
    out = gather_k(sequence.reshape(-1), wpacked.reshape(V, D))
    return out.reshape(SEQ_ROWS, SEQ_COLS, D)


def kernel(sequence, weight):
    return _embed(sequence, weight)

# --- scband reference (transcript-rebuilt; emitter-appended) ---
"""Pipeline reference for scband-variable-embedding-8426725835118 (READ-ONLY COPY).

The authoritative reference and input builder live on the scoring server;
editing this copy changes nothing except your own understanding.
"""

import jax, jax.numpy as jnp
import numpy as np

NUM_VARIABLES = 1000000
EMBEDDING_SIZE = 64

def setup_inputs(seed: int = 0) -> dict:
    key = jax.random.key(seed)
    k_idx, k_w = jax.random.split(key)
    sequence = jax.random.randint(k_idx, (16384, 50), 0, NUM_VARIABLES, dtype=jnp.int64 if jax.config.jax_enable_x64 else jnp.int32)
    # xavier_uniform init for embedding table [num_variables, embedding_size]
    fan_in, fan_out = NUM_VARIABLES, EMBEDDING_SIZE
    limit = float(np.sqrt(6.0 / (fan_in + fan_out)))
    weight = jax.random.uniform(k_w, (NUM_VARIABLES, EMBEDDING_SIZE), minval=-limit, maxval=limit, dtype=jnp.float32)
    return {"sequence": sequence, "weight": weight}

def reference(sequence, weight):
    # nn.Embedding forward: gather rows of the table
    return jnp.take(weight, sequence, axis=0)

if __name__ == "__main__":
    import jax
    _d = setup_inputs()
    print(jax.jit(kernel)(*tuple(_d.values())))

</pallas_src>

<mosaic_0001>
#map = affine_map<(d0, d1) -> (0)>
#map1 = affine_map<(d0, d1) -> (0, 0)>
module attributes {stable_mosaic.version = 14 : i64} {
  func.func @_body(%arg0: i32, %arg1: i32, %arg2: memref<819200xi32, #tpu.memory_space<hbm>>, %arg3: memref<1000000x64xf32, #tpu.memory_space<hbm>>, %arg4: memref<819200x64xf32, #tpu.memory_space<hbm>>, %arg5: memref<25600xi32, #tpu.memory_space<vmem>>, %arg6: memref<2x512x64xf32, #tpu.memory_space<vmem>>, %arg7: memref<!tpu.dma_semaphore, #tpu.memory_space<semaphore_mem>>, %arg8: memref<!tpu.dma_semaphore, #tpu.memory_space<semaphore_mem>>, %arg9: memref<!tpu.dma_semaphore, #tpu.memory_space<semaphore_mem>>, %arg10: memref<!tpu.dma_semaphore, #tpu.memory_space<semaphore_mem>>) attributes {dimension_semantics = [#tpu.dimension_semantics<core_parallel>, #tpu.dimension_semantics<subcore_parallel>], iteration_bounds = array<i64: 2, 16>, scalar_prefetch = 0 : i64, scratch_operands = 6 : i64, tpu.core_type = #tpu.core_type<sc_vector_subcore>, window_params = [{transform_indices = #map}, {transform_indices = #map1}, {transform_indices = #map1}]} {
    %mul3A = arith.constant 2 : i32
    %mul3A_0 = arith.muli %arg1, %mul3A : i32
    %add3A = arith.addi %mul3A_0, %arg0 : i32
    %mul3A_1 = arith.constant 25600 : i32
    %mul3A_2 = arith.muli %add3A, %mul3A_1 : i32
    "tpu.region"() ({
      %run_scoped3A = tpu.sem_alloc : memref<!tpu.dma_semaphore, #tpu.memory_space<semaphore_mem>>
      %dma_start3A_206 = tpu.memref_slice %arg2[%mul3A_2] : memref<819200xi32, #tpu.memory_space<hbm>> -> memref<25600xi32, #tpu.memory_space<hbm>>
      %dma_start3A_207 = tpu.memref_slice %arg2[%mul3A_2] : memref<819200xi32, #tpu.memory_space<hbm>> -> memref<25600xi32, #tpu.memory_space<hbm>>
      tpu.enqueue_dma source(%dma_start3A_207 : memref<25600xi32, #tpu.memory_space<hbm>>) target(%arg5 : memref<25600xi32, #tpu.memory_space<vmem>>) target_semaphore(%run_scoped3A : memref<!tpu.dma_semaphore, #tpu.memory_space<semaphore_mem>>)
      %dma_wait3A_208 = tpu.memref_slice %arg2[%mul3A_2] : memref<819200xi32, #tpu.memory_space<hbm>> -> memref<25600xi32, #tpu.memory_space<hbm>>
      %dma_wait3A_209 = tpu.memref_slice %arg2[%mul3A_2] : memref<819200xi32, #tpu.memory_space<hbm>> -> memref<25600xi32, #tpu.memory_space<hbm>>
      tpu.wait_dma2 semaphore(%run_scoped3A : memref<!tpu.dma_semaphore, #tpu.memory_space<semaphore_mem>>) src(%dma_wait3A_209 : memref<25600xi32, #tpu.memory_space<hbm>>) dst(%arg5 : memref<25600xi32, #tpu.memory_space<vmem>>)
      tpu.yield
    }) : () -> ()
    %dma_start3A = arith.constant 0 : i32
    %dma_start3A_3 = arith.constant 0 : i32
    %dma_start3A_4 = arith.constant 0 : i32
    %dma_start3A_5 = tpu.memref_slice %arg6[%dma_start3A, %dma_start3A_3, %dma_start3A_4] : memref<2x512x64xf32, #tpu.memory_space<vmem>> -> memref<1x512x64xf32, #tpu.memory_space<vmem>>
    %dma_start3A_6 = tpu.memref_squeeze %dma_start3A_5 : memref<1x512x64xf32, #tpu.memory_space<vmem>> -> memref<512x64xf32, #tpu.memory_space<vmem>>
    %dma_start3A_7 = arith.constant 0 : i32
    %dma_start3A_8 = tpu.memref_slice %arg5[%dma_start3A_7] : memref<25600xi32, #tpu.memory_space<vmem>> -> memref<512xi32, #tpu.memory_space<vmem>>
    %dma_start3A_9 = arith.constant 0 : i32
    %dma_start3A_10 = arith.constant 0 : i32
    %dma_start3A_11 = tpu.memref_slice %arg3[%dma_start3A_9, %dma_start3A_10] : memref<1000000x64xf32, #tpu.memory_space<hbm>> -> memref<1000000x64xf32, #tpu.memory_space<hbm>>
    tpu.enqueue_indirect_dma source(%dma_start3A_11 : memref<1000000x64xf32, #tpu.memory_space<hbm>>) target(%dma_start3A_6 : memref<512x64xf32, #tpu.memory_space<vmem>>) offsets(%dma_start3A_8 : memref<512xi32, #tpu.memory_space<vmem>>) semaphore(%arg7 : memref<!tpu.dma_semaphore, #tpu.memory_space<semaphore_mem>>)
    %dma_wait3A = arith.constant 0 : i32
    %dma_wait3A_12 = arith.constant 0 : i32
    %dma_wait3A_13 = arith.constant 0 : i32
    %dma_wait3A_14 = tpu.memref_slice %arg6[%dma_wait3A, %dma_wait3A_12, %dma_wait3A_13] : memref<2x512x64xf32, #tpu.memory_space<vmem>> -> memref<1x512x64xf32, #tpu.memory_space<vmem>>
    %dma_wait3A_15 = tpu.memref_squeeze %dma_wait3A_14 : memref<1x512x64xf32, #tpu.memory_space<vmem>> -> memref<512x64xf32, #tpu.memory_space<vmem>>
    %dma_wait3A_16 = arith.constant 0 : i32
    %dma_wait3A_17 = tpu.memref_slice %arg5[%dma_wait3A_16] : memref<25600xi32, #tpu.memory_space<vmem>> -> memref<512xi32, #tpu.memory_space<vmem>>
    %dma_wait3A_18 = arith.constant 0 : i32
    %dma_wait3A_19 = arith.constant 0 : i32
    %dma_wait3A_20 = tpu.memref_slice %arg3[%dma_wait3A_18, %dma_wait3A_19] : memref<1000000x64xf32, #tpu.memory_space<hbm>> -> memref<1000000x64xf32, #tpu.memory_space<hbm>>
    tpu.wait_indirect_dma semaphore(%arg7 : memref<!tpu.dma_semaphore, #tpu.memory_space<semaphore_mem>>) src(%dma_wait3A_20 : memref<1000000x64xf32, #tpu.memory_space<hbm>>) dst(%dma_wait3A_15 : memref<512x64xf32, #tpu.memory_space<vmem>>)
    %add3A_21 = arith.constant 0 : i32
    %add3A_22 = arith.addi %mul3A_2, %add3A_21 : i32
    %dma_start3A_23 = arith.constant 0 : i32
    %dma_start3A_24 = arith.constant 0 : i32
    %dma_start3A_25 = arith.constant 0 : i32
    %dma_start3A_26 = tpu.memref_slice %arg6[%dma_start3A_23, %dma_start3A_24, %dma_start3A_25] : memref<2x512x64xf32, #tpu.memory_space<vmem>> -> memref<1x512x64xf32, #tpu.memory_space<vmem>>
    %dma_start3A_27 = tpu.memref_squeeze %dma_start3A_26 : memref<1x512x64xf32, #tpu.memory_space<vmem>> -> memref<512x64xf32, #tpu.memory_space<vmem>>
    %dma_start3A_28 = arith.constant 0 : i32
    %dma_start3A_29 = tpu.memref_slice %arg4[%add3A_22, %dma_start3A_28] : memref<819200x64xf32, #tpu.memory_space<hbm>> -> memref<512x64xf32, #tpu.memory_space<hbm>>
    %dma_start3A_30 = arith.constant 0 : i32
    %dma_start3A_31 = tpu.memref_slice %arg4[%add3A_22, %dma_start3A_30] : memref<819200x64xf32, #tpu.memory_space<hbm>> -> memref<512x64xf32, #tpu.memory_space<hbm>>
    %dma_start3A_32 = arith.constant 0 : i32
    %dma_start3A_33 = arith.constant 0 : i32
    %dma_start3A_34 = tpu.memref_slice %arg6[%dma_start3A_23, %dma_start3A_32, %dma_start3A_33] : memref<2x512x64xf32, #tpu.memory_space<vmem>> -> memref<1x512x64xf32, #tpu.memory_space<vmem>>
    %dma_start3A_35 = tpu.memref_squeeze %dma_start3A_34 : memref<1x512x64xf32, #tpu.memory_space<vmem>> -> memref<512x64xf32, #tpu.memory_space<vmem>>
    tpu.enqueue_dma source(%dma_start3A_35 : memref<512x64xf32, #tpu.memory_space<vmem>>) target(%dma_start3A_31 : memref<512x64xf32, #tpu.memory_space<hbm>>) target_semaphore(%arg9 : memref<!tpu.dma_semaphore, #tpu.memory_space<semaphore_mem>>)
    %dma_start3A_36 = arith.constant 1 : i32
    %dma_start3A_37 = arith.constant 0 : i32
    %dma_start3A_38 = arith.constant 0 : i32
    %dma_start3A_39 = tpu.memref_slice %arg6[%dma_start3A_36, %dma_start3A_37, %dma_start3A_38] : memref<2x512x64xf32, #tpu.memory_space<vmem>> -> memref<1x512x64xf32, #tpu.memory_space<vmem>>
    %dma_start3A_40 = tpu.memref_squeeze %dma_start3A_39 : memref<1x512x64xf32, #tpu.memory_space<vmem>> -> memref<512x64xf32, #tpu.memory_space<vmem>>
    %dma_start3A_41 = arith.constant 512 : i32
    %dma_start3A_42 = tpu.memref_slice %arg5[%dma_start3A_41] : memref<25600xi32, #tpu.memory_space<vmem>> -> memref<512xi32, #tpu.memory_space<vmem>>
    %dma_start3A_43 = arith.constant 0 : i32
    %dma_start3A_44 = arith.constant 0 : i32
    %dma_start3A_45 = tpu.memref_slice %arg3[%dma_start3A_43, %dma_start3A_44] : memref<1000000x64xf32, #tpu.memory_space<hbm>> -> memref<1000000x64xf32, #tpu.memory_space<hbm>>
    tpu.enqueue_indirect_dma source(%dma_start3A_45 : memref<1000000x64xf32, #tpu.memory_space<hbm>>) target(%dma_start3A_40 : memref<512x64xf32, #tpu.memory_space<vmem>>) offsets(%dma_start3A_42 : memref<512xi32, #tpu.memory_space<vmem>>) semaphore(%arg8 : memref<!tpu.dma_semaphore, #tpu.memory_space<semaphore_mem>>)
    %dma_wait3A_46 = arith.constant 1 : i32
    %dma_wait3A_47 = arith.constant 0 : i32
    %dma_wait3A_48 = arith.constant 0 : i32
    %dma_wait3A_49 = tpu.memref_slice %arg6[%dma_wait3A_46, %dma_wait3A_47, %dma_wait3A_48] : memref<2x512x64xf32, #tpu.memory_space<vmem>> -> memref<1x512x64xf32, #tpu.memory_space<vmem>>
    %dma_wait3A_50 = tpu.memref_squeeze %dma_wait3A_49 : memref<1x512x64xf32, #tpu.memory_space<vmem>> -> memref<512x64xf32, #tpu.memory_space<vmem>>
    %dma_wait3A_51 = arith.constant 512 : i32
    %dma_wait3A_52 = tpu.memref_slice %arg5[%dma_wait3A_51] : memref<25600xi32, #tpu.memory_space<vmem>> -> memref<512xi32, #tpu.memory_space<vmem>>
    %dma_wait3A_53 = arith.constant 0 : i32
    %dma_wait3A_54 = arith.constant 0 : i32
    %dma_wait3A_55 = tpu.memref_slice %arg3[%dma_wait3A_53, %dma_wait3A_54] : memref<1000000x64xf32, #tpu.memory_space<hbm>> -> memref<1000000x64xf32, #tpu.memory_space<hbm>>
    tpu.wait_indirect_dma semaphore(%arg8 : memref<!tpu.dma_semaphore, #tpu.memory_space<semaphore_mem>>) src(%dma_wait3A_55 : memref<1000000x64xf32, #tpu.memory_space<hbm>>) dst(%dma_wait3A_50 : memref<512x64xf32, #tpu.memory_space<vmem>>)
    %add3A_56 = arith.constant 512 : i32
    %add3A_57 = arith.addi %mul3A_2, %add3A_56 : i32
    %dma_start3A_58 = arith.constant 1 : i32
    %dma_start3A_59 = arith.constant 0 : i32
    %dma_start3A_60 = arith.constant 0 : i32
    %dma_start3A_61 = tpu.memref_slice %arg6[%dma_start3A_58, %dma_start3A_59, %dma_start3A_60] : memref<2x512x64xf32, #tpu.memory_space<vmem>> -> memref<1x512x64xf32, #tpu.memory_space<vmem>>
    %dma_start3A_62 = tpu.memref_squeeze %dma_start3A_61 : memref<1x512x64xf32, #tpu.memory_space<vmem>> -> memref<512x64xf32, #tpu.memory_space<vmem>>
    %dma_start3A_63 = arith.constant 0 : i32
    %dma_start3A_64 = tpu.memref_slice %arg4[%add3A_57, %dma_start3A_63] : memref<819200x64xf32, #tpu.memory_space<hbm>> -> memref<512x64xf32, #tpu.memory_space<hbm>>
    %dma_start3A_65 = arith.constant 0 : i32
    %dma_start3A_66 = tpu.memref_slice %arg4[%add3A_57, %dma_start3A_65] : memref<819200x64xf32, #tpu.memory_space<hbm>> -> memref<512x64xf32, #tpu.memory_space<hbm>>
    %dma_start3A_67 = arith.constant 0 : i32
    %dma_start3A_68 = arith.constant 0 : i32
    %dma_start3A_69 = tpu.memref_slice %arg6[%dma_start3A_58, %dma_start3A_67, %dma_start3A_68] : memref<2x512x64xf32, #tpu.memory_space<vmem>> -> memref<1x512x64xf32, #tpu.memory_space<vmem>>
    %dma_start3A_70 = tpu.memref_squeeze %dma_start3A_69 : memref<1x512x64xf32, #tpu.memory_space<vmem>> -> memref<512x64xf32, #tpu.memory_space<vmem>>
    tpu.enqueue_dma source(%dma_start3A_70 : memref<512x64xf32, #tpu.memory_space<vmem>>) target(%dma_start3A_66 : memref<512x64xf32, #tpu.memory_space<hbm>>) target_semaphore(%arg10 : memref<!tpu.dma_semaphore, #tpu.memory_space<semaphore_mem>>)
    %add3A_71 = arith.constant 0 : i32
    %add3A_72 = arith.addi %mul3A_2, %add3A_71 : i32
    %dma_wait3A_73 = arith.constant 0 : i32
    %dma_wait3A_74 = arith.constant 0 : i32
    %dma_wait3A_75 = arith.constant 0 : i32
    %dma_wait3A_76 = tpu.memref_slice %arg6[%dma_wait3A_73, %dma_wait3A_74, %dma_wait3A_75] : memref<2x512x64xf32, #tpu.memory_space<vmem>> -> memref<1x512x64xf32, #tpu.memory_space<vmem>>
    %dma_wait3A_77 = tpu.memref_squeeze %dma_wait3A_76 : memref<1x512x64xf32, #tpu.memory_space<vmem>> -> memref<512x64xf32, #tpu.memory_space<vmem>>
    %dma_wait3A_78 = arith.constant 0 : i32
    %dma_wait3A_79 = tpu.memref_slice %arg4[%add3A_72, %dma_wait3A_78] : memref<819200x64xf32, #tpu.memory_space<hbm>> -> memref<512x64xf32, #tpu.memory_space<hbm>>
    %dma_wait3A_80 = arith.constant 0 : i32
    %dma_wait3A_81 = tpu.memref_slice %arg4[%add3A_72, %dma_wait3A_80] : memref<819200x64xf32, #tpu.memory_space<hbm>> -> memref<512x64xf32, #tpu.memory_space<hbm>>
    %dma_wait3A_82 = arith.constant 0 : i32
    %dma_wait3A_83 = arith.constant 0 : i32
    %dma_wait3A_84 = tpu.memref_slice %arg6[%dma_wait3A_73, %dma_wait3A_82, %dma_wait3A_83] : memref<2x512x64xf32, #tpu.memory_space<vmem>> -> memref<1x512x64xf32, #tpu.memory_space<vmem>>
    %dma_wait3A_85 = tpu.memref_squeeze %dma_wait3A_84 : memref<1x512x64xf32, #tpu.memory_space<vmem>> -> memref<512x64xf32, #tpu.memory_space<vmem>>
    tpu.wait_dma2 semaphore(%arg9 : memref<!tpu.dma_semaphore, #tpu.memory_space<semaphore_mem>>) src(%dma_wait3A_85 : memref<512x64xf32, #tpu.memory_space<vmem>>) dst(%dma_wait3A_81 : memref<512x64xf32, #tpu.memory_space<hbm>>)
    %dma_start3A_86 = arith.constant 0 : i32
    %dma_start3A_87 = arith.constant 0 : i32
    %dma_start3A_88 = arith.constant 0 : i32
    %dma_start3A_89 = tpu.memref_slice %arg6[%dma_start3A_86, %dma_start3A_87, %dma_start3A_88] : memref<2x512x64xf32, #tpu.memory_space<vmem>> -> memref<1x512x64xf32, #tpu.memory_space<vmem>>
    %dma_start3A_90 = tpu.memref_squeeze %dma_start3A_89 : memref<1x512x64xf32, #tpu.memory_space<vmem>> -> memref<512x64xf32, #tpu.memory_space<vmem>>
    %dma_start3A_91 = arith.constant 1024 : i32
    %dma_start3A_92 = tpu.memref_slice %arg5[%dma_start3A_91] : memref<25600xi32, #tpu.memory_space<vmem>> -> memref<512xi32, #tpu.memory_space<vmem>>
    %dma_start3A_93 = arith.constant 0 : i32
    %dma_start3A_94 = arith.constant 0 : i32
    %dma_start3A_95 = tpu.memref_slice %arg3[%dma_start3A_93, %dma_start3A_94] : memref<1000000x64xf32, #tpu.memory_space<hbm>> -> memref<1000000x64xf32, #tpu.memory_space<hbm>>
    tpu.enqueue_indirect_dma source(%dma_start3A_95 : memref<1000000x64xf32, #tpu.memory_space<hbm>>) target(%dma_start3A_90 : memref<512x64xf32, #tpu.memory_space<vmem>>) offsets(%dma_start3A_92 : memref<512xi32, #tpu.memory_space<vmem>>) semaphore(%arg7 : memref<!tpu.dma_semaphore, #tpu.memory_space<semaphore_mem>>)
    %scan3A = arith.constant 0 : i32
    %scan3A_96 = arith.constant 1 : i32
    %scan3A_97 = arith.constant 23 : i32
    %scan3A_98 = arith.addi %scan3A_96, %scan3A_97 : i32
    %scan3A_99 = arith.constant 1 : i32
    scf.for %scan3A_206 = %scan3A_96 to %scan3A_98 step %scan3A_99  : i32 {
      %mul3A_207 = arith.constant 2 : i32
      %mul3A_208 = arith.muli %mul3A_207, %scan3A_206 : i32
      %mul3A_209 = arith.constant 512 : i32
      %mul3A_210 = arith.muli %mul3A_208, %mul3A_209 : i32
      %dma_wait3A_211 = arith.constant 0 : i32
      %dma_wait3A_212 = arith.constant 0 : i32
      %dma_wait3A_213 = arith.constant 0 : i32
      %dma_wait3A_214 = tpu.memref_slice %arg6[%dma_wait3A_211, %dma_wait3A_212, %dma_wait3A_213] : memref<2x512x64xf32, #tpu.memory_space<vmem>> -> memref<1x512x64xf32, #tpu.memory_space<vmem>>
      %dma_wait3A_215 = tpu.memref_squeeze %dma_wait3A_214 : memref<1x512x64xf32, #tpu.memory_space<vmem>> -> memref<512x64xf32, #tpu.memory_space<vmem>>
      %dma_wait3A_216 = tpu.memref_slice %arg5[%mul3A_210] : memref<25600xi32, #tpu.memory_space<vmem>> -> memref<512xi32, #tpu.memory_space<vmem>>
      %dma_wait3A_217 = arith.constant 0 : i32
      %dma_wait3A_218 = arith.constant 0 : i32
      %dma_wait3A_219 = tpu.memref_slice %arg3[%dma_wait3A_217, %dma_wait3A_218] : memref<1000000x64xf32, #tpu.memory_space<hbm>> -> memref<1000000x64xf32, #tpu.memory_space<hbm>>
      tpu.wait_indirect_dma semaphore(%arg7 : memref<!tpu.dma_semaphore, #tpu.memory_space<semaphore_mem>>) src(%dma_wait3A_219 : memref<1000000x64xf32, #tpu.memory_space<hbm>>) dst(%dma_wait3A_215 : memref<512x64xf32, #tpu.memory_space<vmem>>)
      %mul3A_220 = arith.constant 512 : i32
      %mul3A_221 = arith.muli %mul3A_208, %mul3A_220 : i32
      %add3A_222 = arith.addi %mul3A_2, %mul3A_221 : i32
      %dma_start3A_223 = arith.constant 0 : i32
      %dma_start3A_224 = arith.constant 0 : i32
      %dma_start3A_225 = arith.constant 0 : i32
      %dma_start3A_226 = tpu.memref_slice %arg6[%dma_start3A_223, %dma_start3A_224, %dma_start3A_225] : memref<2x512x64xf32, #tpu.memory_space<vmem>> -> memref<1x512x64xf32, #tpu.memory_space<vmem>>
      %dma_start3A_227 = tpu.memref_squeeze %dma_start3A_226 : memref<1x512x64xf32, #tpu.memory_space<vmem>> -> memref<512x64xf32, #tpu.memory_space<vmem>>
      %dma_start3A_228 = arith.constant 0 : i32
      %dma_start3A_229 = tpu.memref_slice %arg4[%add3A_222, %dma_start3A_228] : memref<819200x64xf32, #tpu.memory_space<hbm>> -> memref<512x64xf32, #tpu.memory_space<hbm>>
      %dma_start3A_230 = arith.constant 0 : i32
      %dma_start3A_231 = tpu.memref_slice %arg4[%add3A_222, %dma_start3A_230] : memref<819200x64xf32, #tpu.memory_space<hbm>> -> memref<512x64xf32, #tpu.memory_space<hbm>>
      %dma_start3A_232 = arith.constant 0 : i32
      %dma_start3A_233 = arith.constant 0 : i32
      %dma_start3A_234 = tpu.memref_slice %arg6[%dma_start3A_223, %dma_start3A_232, %dma_start3A_233] : memref<2x512x64xf32, #tpu.memory_space<vmem>> -> memref<1x512x64xf32, #tpu.memory_space<vmem>>
      %dma_start3A_235 = tpu.memref_squeeze %dma_start3A_234 : memref<1x512x64xf32, #tpu.memory_space<vmem>> -> memref<512x64xf32, #tpu.memory_space<vmem>>
      tpu.enqueue_dma source(%dma_start3A_235 : memref<512x64xf32, #tpu.memory_space<vmem>>) target(%dma_start3A_231 : memref<512x64xf32, #tpu.memory_space<hbm>>) target_semaphore(%arg9 : memref<!tpu.dma_semaphore, #tpu.memory_space<semaphore_mem>>)
      %sub3A = arith.constant 1 : i32
      %sub3A_236 = arith.subi %mul3A_208, %sub3A : i32
      %mul3A_237 = arith.constant 512 : i32
      %mul3A_238 = arith.muli %sub3A_236, %mul3A_237 : i32
      %add3A_239 = arith.addi %mul3A_2, %mul3A_238 : i32
      %dma_wait3A_240 = arith.constant 1 : i32
      %dma_wait3A_241 = arith.constant 0 : i32
      %dma_wait3A_242 = arith.constant 0 : i32
      %dma_wait3A_243 = tpu.memref_slice %arg6[%dma_wait3A_240, %dma_wait3A_241, %dma_wait3A_242] : memref<2x512x64xf32, #tpu.memory_space<vmem>> -> memref<1x512x64xf32, #tpu.memory_space<vmem>>
      %dma_wait3A_244 = tpu.memref_squeeze %dma_wait3A_243 : memref<1x512x64xf32, #tpu.memory_space<vmem>> -> memref<512x64xf32, #tpu.memory_space<vmem>>
      %dma_wait3A_245 = arith.constant 0 : i32
      %dma_wait3A_246 = tpu.memref_slice %arg4[%add3A_239, %dma_wait3A_245] : memref<819200x64xf32, #tpu.memory_space<hbm>> -> memref<512x64xf32, #tpu.memory_space<hbm>>
      %dma_wait3A_247 = arith.constant 0 : i32
      %dma_wait3A_248 = tpu.memref_slice %arg4[%add3A_239, %dma_wait3A_247] : memref<819200x64xf32, #tpu.memory_space<hbm>> -> memref<512x64xf32, #tpu.memory_space<hbm>>
      %dma_wait3A_249 = arith.constant 0 : i32
      %dma_wait3A_250 = arith.constant 0 : i32
      %dma_wait3A_251 = tpu.memref_slice %arg6[%dma_wait3A_240, %dma_wait3A_249, %dma_wait3A_250] : memref<2x512x64xf32, #tpu.memory_space<vmem>> -> memref<1x512x64xf32, #tpu.memory_space<vmem>>
      %dma_wait3A_252 = tpu.memref_squeeze %dma_wait3A_251 : memref<1x512x64xf32, #tpu.memory_space<vmem>> -> memref<512x64xf32, #tpu.memory_space<vmem>>
      tpu.wait_dma2 semaphore(%arg10 : memref<!tpu.dma_semaphore, #tpu.memory_space<semaphore_mem>>) src(%dma_wait3A_252 : memref<512x64xf32, #tpu.memory_space<vmem>>) dst(%dma_wait3A_248 : memref<512x64xf32, #tpu.memory_space<hbm>>)
      %add3A_253 = arith.constant 1 : i32
      %add3A_254 = arith.addi %mul3A_208, %add3A_253 : i32
      %mul3A_255 = arith.constant 512 : i32
      %mul3A_256 = arith.muli %add3A_254, %mul3A_255 : i32
      %dma_start3A_257 = arith.constant 1 : i32
      %dma_start3A_258 = arith.constant 0 : i32
      %dma_start3A_259 = arith.constant 0 : i32
      %dma_start3A_260 = tpu.memref_slice %arg6[%dma_start3A_257, %dma_start3A_258, %dma_start3A_259] : memref<2x512x64xf32, #tpu.memory_space<vmem>> -> memref<1x512x64xf32, #tpu.memory_space<vmem>>
      %dma_start3A_261 = tpu.memref_squeeze %dma_start3A_260 : memref<1x512x64xf32, #tpu.memory_space<vmem>> -> memref<512x64xf32, #tpu.memory_space<vmem>>
      %dma_start3A_262 = tpu.memref_slice %arg5[%mul3A_256] : memref<25600xi32, #tpu.memory_space<vmem>> -> memref<512xi32, #tpu.memory_space<vmem>>
      %dma_start3A_263 = arith.constant 0 : i32
      %dma_start3A_264 = arith.constant 0 : i32
      %dma_start3A_265 = tpu.memref_slice %arg3[%dma_start3A_263, %dma_start3A_264] : memref<1000000x64xf32, #tpu.memory_space<hbm>> -> memref<1000000x64xf32, #tpu.memory_space<hbm>>
      tpu.enqueue_indirect_dma source(%dma_start3A_265 : memref<1000000x64xf32, #tpu.memory_space<hbm>>) target(%dma_start3A_261 : memref<512x64xf32, #tpu.memory_space<vmem>>) offsets(%dma_start3A_262 : memref<512xi32, #tpu.memory_space<vmem>>) semaphore(%arg8 : memref<!tpu.dma_semaphore, #tpu.memory_space<semaphore_mem>>)
      %add3A_266 = arith.constant 1 : i32
      %add3A_267 = arith.addi %mul3A_208, %add3A_266 : i32
      %mul3A_268 = arith.constant 512 : i32
      %mul3A_269 = arith.muli %add3A_267, %mul3A_268 : i32
      %dma_wait3A_270 = arith.constant 1 : i32
      %dma_wait3A_271 = arith.constant 0 : i32
      %dma_wait3A_272 = arith.constant 0 : i32
      %dma_wait3A_273 = tpu.memref_slice %arg6[%dma_wait3A_270, %dma_wait3A_271, %dma_wait3A_272] : memref<2x512x64xf32, #tpu.memory_space<vmem>> -> memref<1x512x64xf32, #tpu.memory_space<vmem>>
      %dma_wait3A_274 = tpu.memref_squeeze %dma_wait3A_273 : memref<1x512x64xf32, #tpu.memory_space<vmem>> -> memref<512x64xf32, #tpu.memory_space<vmem>>
      %dma_wait3A_275 = tpu.memref_slice %arg5[%mul3A_269] : memref<25600xi32, #tpu.memory_space<vmem>> -> memref<512xi32, #tpu.memory_space<vmem>>
      %dma_wait3A_276 = arith.constant 0 : i32
      %dma_wait3A_277 = arith.constant 0 : i32
      %dma_wait3A_278 = tpu.memref_slice %arg3[%dma_wait3A_276, %dma_wait3A_277] : memref<1000000x64xf32, #tpu.memory_space<hbm>> -> memref<1000000x64xf32, #tpu.memory_space<hbm>>
      tpu.wait_indirect_dma semaphore(%arg8 : memref<!tpu.dma_semaphore, #tpu.memory_space<semaphore_mem>>) src(%dma_wait3A_278 : memref<1000000x64xf32, #tpu.memory_space<hbm>>) dst(%dma_wait3A_274 : memref<512x64xf32, #tpu.memory_space<vmem>>)
      %add3A_279 = arith.constant 1 : i32
      %add3A_280 = arith.addi %mul3A_208, %add3A_279 : i32
      %mul3A_281 = arith.constant 512 : i32
      %mul3A_282 = arith.muli %add3A_280, %mul3A_281 : i32
      %add3A_283 = arith.addi %mul3A_2, %mul3A_282 : i32
      %dma_start3A_284 = arith.constant 1 : i32
      %dma_start3A_285 = arith.constant 0 : i32
      %dma_start3A_286 = arith.constant 0 : i32
      %dma_start3A_287 = tpu.memref_slice %arg6[%dma_start3A_284, %dma_start3A_285, %dma_start3A_286] : memref<2x512x64xf32, #tpu.memory_space<vmem>> -> memref<1x512x64xf32, #tpu.memory_space<vmem>>
      %dma_start3A_288 = tpu.memref_squeeze %dma_start3A_287 : memref<1x512x64xf32, #tpu.memory_space<vmem>> -> memref<512x64xf32, #tpu.memory_space<vmem>>
      %dma_start3A_289 = arith.constant 0 : i32
      %dma_start3A_290 = tpu.memref_slice %arg4[%add3A_283, %dma_start3A_289] : memref<819200x64xf32, #tpu.memory_space<hbm>> -> memref<512x64xf32, #tpu.memory_space<hbm>>
      %dma_start3A_291 = arith.constant 0 : i32
      %dma_start3A_292 = tpu.memref_slice %arg4[%add3A_283, %dma_start3A_291] : memref<819200x64xf32, #tpu.memory_space<hbm>> -> memref<512x64xf32, #tpu.memory_space<hbm>>
      %dma_start3A_293 = arith.constant 0 : i32
      %dma_start3A_294 = arith.constant 0 : i32
      %dma_start3A_295 = tpu.memref_slice %arg6[%dma_start3A_284, %dma_start3A_293, %dma_start3A_294] : memref<2x512x64xf32, #tpu.memory_space<vmem>> -> memref<1x512x64xf32, #tpu.memory_space<vmem>>
      %dma_start3A_296 = tpu.memref_squeeze %dma_start3A_295 : memref<1x512x64xf32, #tpu.memory_space<vmem>> -> memref<512x64xf32, #tpu.memory_space<vmem>>
      tpu.enqueue_dma source(%dma_start3A_296 : memref<512x64xf32, #tpu.memory_space<vmem>>) target(%dma_start3A_292 : memref<512x64xf32, #tpu.memory_space<hbm>>) target_semaphore(%arg10 : memref<!tpu.dma_semaphore, #tpu.memory_space<semaphore_mem>>)
      %mul3A_297 = arith.constant 512 : i32
      %mul3A_298 = arith.muli %mul3A_208, %mul3A_297 : i32
      %add3A_299 = arith.addi %mul3A_2, %mul3A_298 : i32
      %dma_wait3A_300 = arith.constant 0 : i32
      %dma_wait3A_301 = arith.constant 0 : i32
      %dma_wait3A_302 = arith.constant 0 : i32
      %dma_wait3A_303 = tpu.memref_slice %arg6[%dma_wait3A_300, %dma_wait3A_301, %dma_wait3A_302] : memref<2x512x64xf32, #tpu.memory_space<vmem>> -> memref<1x512x64xf32, #tpu.memory_space<vmem>>
      %dma_wait3A_304 = tpu.memref_squeeze %dma_wait3A_303 : memref<1x512x64xf32, #tpu.memory_space<vmem>> -> memref<512x64xf32, #tpu.memory_space<vmem>>
      %dma_wait3A_305 = arith.constant 0 : i32
      %dma_wait3A_306 = tpu.memref_slice %arg4[%add3A_299, %dma_wait3A_305] : memref<819200x64xf32, #tpu.memory_space<hbm>> -> memref<512x64xf32, #tpu.memory_space<hbm>>
      %dma_wait3A_307 = arith.constant 0 : i32
      %dma_wait3A_308 = tpu.memref_slice %arg4[%add3A_299, %dma_wait3A_307] : memref<819200x64xf32, #tpu.memory_space<hbm>> -> memref<512x64xf32, #tpu.memory_space<hbm>>
      %dma_wait3A_309 = arith.constant 0 : i32
      %dma_wait3A_310 = arith.constant 0 : i32
      %dma_wait3A_311 = tpu.memref_slice %arg6[%dma_wait3A_300, %dma_wait3A_309, %dma_wait3A_310] : memref<2x512x64xf32, #tpu.memory_space<vmem>> -> memref<1x512x64xf32, #tpu.memory_space<vmem>>
      %dma_wait3A_312 = tpu.memref_squeeze %dma_wait3A_311 : memref<1x512x64xf32, #tpu.memory_space<vmem>> -> memref<512x64xf32, #tpu.memory_space<vmem>>
      tpu.wait_dma2 semaphore(%arg9 : memref<!tpu.dma_semaphore, #tpu.memory_space<semaphore_mem>>) src(%dma_wait3A_312 : memref<512x64xf32, #tpu.memory_space<vmem>>) dst(%dma_wait3A_308 : memref<512x64xf32, #tpu.memory_space<hbm>>)
      %add3A_313 = arith.constant 2 : i32
      %add3A_314 = arith.addi %mul3A_208, %add3A_313 : i32
      %mul3A_315 = arith.constant 512 : i32
      %mul3A_316 = arith.muli %add3A_314, %mul3A_315 : i32
      %dma_start3A_317 = arith.constant 0 : i32
      %dma_start3A_318 = arith.constant 0 : i32
      %dma_start3A_319 = arith.constant 0 : i32
      %dma_start3A_320 = tpu.memref_slice %arg6[%dma_start3A_317, %dma_start3A_318, %dma_start3A_319] : memref<2x512x64xf32, #tpu.memory_space<vmem>> -> memref<1x512x64xf32, #tpu.memory_space<vmem>>
      %dma_start3A_321 = tpu.memref_squeeze %dma_start3A_320 : memref<1x512x64xf32, #tpu.memory_space<vmem>> -> memref<512x64xf32, #tpu.memory_space<vmem>>
      %dma_start3A_322 = tpu.memref_slice %arg5[%mul3A_316] : memref<25600xi32, #tpu.memory_space<vmem>> -> memref<512xi32, #tpu.memory_space<vmem>>
      %dma_start3A_323 = arith.constant 0 : i32
      %dma_start3A_324 = arith.constant 0 : i32
      %dma_start3A_325 = tpu.memref_slice %arg3[%dma_start3A_323, %dma_start3A_324] : memref<1000000x64xf32, #tpu.memory_space<hbm>> -> memref<1000000x64xf32, #tpu.memory_space<hbm>>
      tpu.enqueue_indirect_dma source(%dma_start3A_325 : memref<1000000x64xf32, #tpu.memory_space<hbm>>) target(%dma_start3A_321 : memref<512x64xf32, #tpu.memory_space<vmem>>) offsets(%dma_start3A_322 : memref<512xi32, #tpu.memory_space<vmem>>) semaphore(%arg7 : memref<!tpu.dma_semaphore, #tpu.memory_space<semaphore_mem>>)
    }
    %scan3A_100 = arith.constant 23 : i32
    %dma_wait3A_101 = arith.constant 0 : i32
    %dma_wait3A_102 = arith.constant 0 : i32
    %dma_wait3A_103 = arith.constant 0 : i32
    %dma_wait3A_104 = tpu.memref_slice %arg6[%dma_wait3A_101, %dma_wait3A_102, %dma_wait3A_103] : memref<2x512x64xf32, #tpu.memory_space<vmem>> -> memref<1x512x64xf32, #tpu.memory_space<vmem>>
    %dma_wait3A_105 = tpu.memref_squeeze %dma_wait3A_104 : memref<1x512x64xf32, #tpu.memory_space<vmem>> -> memref<512x64xf32, #tpu.memory_space<vmem>>
    %dma_wait3A_106 = arith.constant 24576 : i32
    %dma_wait3A_107 = tpu.memref_slice %arg5[%dma_wait3A_106] : memref<25600xi32, #tpu.memory_space<vmem>> -> memref<512xi32, #tpu.memory_space<vmem>>
    %dma_wait3A_108 = arith.constant 0 : i32
    %dma_wait3A_109 = arith.constant 0 : i32
    %dma_wait3A_110 = tpu.memref_slice %arg3[%dma_wait3A_108, %dma_wait3A_109] : memref<1000000x64xf32, #tpu.memory_space<hbm>> -> memref<1000000x64xf32, #tpu.memory_space<hbm>>
    tpu.wait_indirect_dma semaphore(%arg7 : memref<!tpu.dma_semaphore, #tpu.memory_space<semaphore_mem>>) src(%dma_wait3A_110 : memref<1000000x64xf32, #tpu.memory_space<hbm>>) dst(%dma_wait3A_105 : memref<512x64xf32, #tpu.memory_space<vmem>>)
    %add3A_111 = arith.constant 24576 : i32
    %add3A_112 = arith.addi %mul3A_2, %add3A_111 : i32
    %dma_start3A_113 = arith.constant 0 : i32
    %dma_start3A_114 = arith.constant 0 : i32
    %dma_start3A_115 = arith.constant 0 : i32
    %dma_start3A_116 = tpu.memref_slice %arg6[%dma_start3A_113, %dma_start3A_114, %dma_start3A_115] : memref<2x512x64xf32, #tpu.memory_space<vmem>> -> memref<1x512x64xf32, #tpu.memory_space<vmem>>
    %dma_start3A_117 = tpu.memref_squeeze %dma_start3A_116 : memref<1x512x64xf32, #tpu.memory_space<vmem>> -> memref<512x64xf32, #tpu.memory_space<vmem>>
    %dma_start3A_118 = arith.constant 0 : i32
    %dma_start3A_119 = tpu.memref_slice %arg4[%add3A_112, %dma_start3A_118] : memref<819200x64xf32, #tpu.memory_space<hbm>> -> memref<512x64xf32, #tpu.memory_space<hbm>>
    %dma_start3A_120 = arith.constant 0 : i32
    %dma_start3A_121 = tpu.memref_slice %arg4[%add3A_112, %dma_start3A_120] : memref<819200x64xf32, #tpu.memory_space<hbm>> -> memref<512x64xf32, #tpu.memory_space<hbm>>
    %dma_start3A_122 = arith.constant 0 : i32
    %dma_start3A_123 = arith.constant 0 : i32
    %dma_start3A_124 = tpu.memref_slice %arg6[%dma_start3A_113, %dma_start3A_122, %dma_start3A_123] : memref<2x512x64xf32, #tpu.memory_space<vmem>> -> memref<1x512x64xf32, #tpu.memory_space<vmem>>
    %dma_start3A_125 = tpu.memref_squeeze %dma_start3A_124 : memref<1x512x64xf32, #tpu.memory_space<vmem>> -> memref<512x64xf32, #tpu.memory_space<vmem>>
    tpu.enqueue_dma source(%dma_start3A_125 : memref<512x64xf32, #tpu.memory_space<vmem>>) target(%dma_start3A_121 : memref<512x64xf32, #tpu.memory_space<hbm>>) target_semaphore(%arg9 : memref<!tpu.dma_semaphore, #tpu.memory_space<semaphore_mem>>)
    %add3A_126 = arith.constant 24064 : i32
    %add3A_127 = arith.addi %mul3A_2, %add3A_126 : i32
    %dma_wait3A_128 = arith.constant 1 : i32
    %dma_wait3A_129 = arith.constant 0 : i32
    %dma_wait3A_130 = arith.constant 0 : i32
    %dma_wait3A_131 = tpu.memref_slice %arg6[%dma_wait3A_128, %dma_wait3A_129, %dma_wait3A_130] : memref<2x512x64xf32, #tpu.memory_space<vmem>> -> memref<1x512x64xf32, #tpu.memory_space<vmem>>
    %dma_wait3A_132 = tpu.memref_squeeze %dma_wait3A_131 : memref<1x512x64xf32, #tpu.memory_space<vmem>> -> memref<512x64xf32, #tpu.memory_space<vmem>>
    %dma_wait3A_133 = arith.constant 0 : i32
    %dma_wait3A_134 = tpu.memref_slice %arg4[%add3A_127, %dma_wait3A_133] : memref<819200x64xf32, #tpu.memory_space<hbm>> -> memref<512x64xf32, #tpu.memory_space<hbm>>
    %dma_wait3A_135 = arith.constant 0 : i32
    %dma_wait3A_136 = tpu.memref_slice %arg4[%add3A_127, %dma_wait3A_135] : memref<819200x64xf32, #tpu.memory_space<hbm>> -> memref<512x64xf32, #tpu.memory_space<hbm>>
    %dma_wait3A_137 = arith.constant 0 : i32
    %dma_wait3A_138 = arith.constant 0 : i32
    %dma_wait3A_139 = tpu.memref_slice %arg6[%dma_wait3A_128, %dma_wait3A_137, %dma_wait3A_138] : memref<2x512x64xf32, #tpu.memory_space<vmem>> -> memref<1x512x64xf32, #tpu.memory_space<vmem>>
    %dma_wait3A_140 = tpu.memref_squeeze %dma_wait3A_139 : memref<1x512x64xf32, #tpu.memory_space<vmem>> -> memref<512x64xf32, #tpu.memory_space<vmem>>
    tpu.wait_dma2 semaphore(%arg10 : memref<!tpu.dma_semaphore, #tpu.memory_space<semaphore_mem>>) src(%dma_wait3A_140 : memref<512x64xf32, #tpu.memory_space<vmem>>) dst(%dma_wait3A_136 : memref<512x64xf32, #tpu.memory_space<hbm>>)
    %dma_start3A_141 = arith.constant 1 : i32
    %dma_start3A_142 = arith.constant 0 : i32
    %dma_start3A_143 = arith.constant 0 : i32
    %dma_start3A_144 = tpu.memref_slice %arg6[%dma_start3A_141, %dma_start3A_142, %dma_start3A_143] : memref<2x512x64xf32, #tpu.memory_space<vmem>> -> memref<1x512x64xf32, #tpu.memory_space<vmem>>
    %dma_start3A_145 = tpu.memref_squeeze %dma_start3A_144 : memref<1x512x64xf32, #tpu.memory_space<vmem>> -> memref<512x64xf32, #tpu.memory_space<vmem>>
    %dma_start3A_146 = arith.constant 25088 : i32
    %dma_start3A_147 = tpu.memref_slice %arg5[%dma_start3A_146] : memref<25600xi32, #tpu.memory_space<vmem>> -> memref<512xi32, #tpu.memory_space<vmem>>
    %dma_start3A_148 = arith.constant 0 : i32
    %dma_start3A_149 = arith.constant 0 : i32
    %dma_start3A_150 = tpu.memref_slice %arg3[%dma_start3A_148, %dma_start3A_149] : memref<1000000x64xf32, #tpu.memory_space<hbm>> -> memref<1000000x64xf32, #tpu.memory_space<hbm>>
    tpu.enqueue_indirect_dma source(%dma_start3A_150 : memref<1000000x64xf32, #tpu.memory_space<hbm>>) target(%dma_start3A_145 : memref<512x64xf32, #tpu.memory_space<vmem>>) offsets(%dma_start3A_147 : memref<512xi32, #tpu.memory_space<vmem>>) semaphore(%arg8 : memref<!tpu.dma_semaphore, #tpu.memory_space<semaphore_mem>>)
    %dma_wait3A_151 = arith.constant 1 : i32
    %dma_wait3A_152 = arith.constant 0 : i32
    %dma_wait3A_153 = arith.constant 0 : i32
    %dma_wait3A_154 = tpu.memref_slice %arg6[%dma_wait3A_151, %dma_wait3A_152, %dma_wait3A_153] : memref<2x512x64xf32, #tpu.memory_space<vmem>> -> memref<1x512x64xf32, #tpu.memory_space<vmem>>
    %dma_wait3A_155 = tpu.memref_squeeze %dma_wait3A_154 : memref<1x512x64xf32, #tpu.memory_space<vmem>> -> memref<512x64xf32, #tpu.memory_space<vmem>>
    %dma_wait3A_156 = arith.constant 25088 : i32
    %dma_wait3A_157 = tpu.memref_slice %arg5[%dma_wait3A_156] : memref<25600xi32, #tpu.memory_space<vmem>> -> memref<512xi32, #tpu.memory_space<vmem>>
    %dma_wait3A_158 = arith.constant 0 : i32
    %dma_wait3A_159 = arith.constant 0 : i32
    %dma_wait3A_160 = tpu.memref_slice %arg3[%dma_wait3A_158, %dma_wait3A_159] : memref<1000000x64xf32, #tpu.memory_space<hbm>> -> memref<1000000x64xf32, #tpu.memory_space<hbm>>
    tpu.wait_indirect_dma semaphore(%arg8 : memref<!tpu.dma_semaphore, #tpu.memory_space<semaphore_mem>>) src(%dma_wait3A_160 : memref<1000000x64xf32, #tpu.memory_space<hbm>>) dst(%dma_wait3A_155 : memref<512x64xf32, #tpu.memory_space<vmem>>)
    %add3A_161 = arith.constant 25088 : i32
    %add3A_162 = arith.addi %mul3A_2, %add3A_161 : i32
    %dma_start3A_163 = arith.constant 1 : i32
    %dma_start3A_164 = arith.constant 0 : i32
    %dma_start3A_165 = arith.constant 0 : i32
    %dma_start3A_166 = tpu.memref_slice %arg6[%dma_start3A_163, %dma_start3A_164, %dma_start3A_165] : memref<2x512x64xf32, #tpu.memory_space<vmem>> -> memref<1x512x64xf32, #tpu.memory_space<vmem>>
    %dma_start3A_167 = tpu.memref_squeeze %dma_start3A_166 : memref<1x512x64xf32, #tpu.memory_space<vmem>> -> memref<512x64xf32, #tpu.memory_space<vmem>>
    %dma_start3A_168 = arith.constant 0 : i32
    %dma_start3A_169 = tpu.memref_slice %arg4[%add3A_162, %dma_start3A_168] : memref<819200x64xf32, #tpu.memory_space<hbm>> -> memref<512x64xf32, #tpu.memory_space<hbm>>
    %dma_start3A_170 = arith.constant 0 : i32
    %dma_start3A_171 = tpu.memref_slice %arg4[%add3A_162, %dma_start3A_170] : memref<819200x64xf32, #tpu.memory_space<hbm>> -> memref<512x64xf32, #tpu.memory_space<hbm>>
    %dma_start3A_172 = arith.constant 0 : i32
    %dma_start3A_173 = arith.constant 0 : i32
    %dma_start3A_174 = tpu.memref_slice %arg6[%dma_start3A_163, %dma_start3A_172, %dma_start3A_173] : memref<2x512x64xf32, #tpu.memory_space<vmem>> -> memref<1x512x64xf32, #tpu.memory_space<vmem>>
    %dma_start3A_175 = tpu.memref_squeeze %dma_start3A_174 : memref<1x512x64xf32, #tpu.memory_space<vmem>> -> memref<512x64xf32, #tpu.memory_space<vmem>>
    tpu.enqueue_dma source(%dma_start3A_175 : memref<512x64xf32, #tpu.memory_space<vmem>>) target(%dma_start3A_171 : memref<512x64xf32, #tpu.memory_space<hbm>>) target_semaphore(%arg10 : memref<!tpu.dma_semaphore, #tpu.memory_space<semaphore_mem>>)
    %add3A_176 = arith.constant 24576 : i32
    %add3A_177 = arith.addi %mul3A_2, %add3A_176 : i32
    %dma_wait3A_178 = arith.constant 0 : i32
    %dma_wait3A_179 = arith.constant 0 : i32
    %dma_wait3A_180 = arith.constant 0 : i32
    %dma_wait3A_181 = tpu.memref_slice %arg6[%dma_wait3A_178, %dma_wait3A_179, %dma_wait3A_180] : memref<2x512x64xf32, #tpu.memory_space<vmem>> -> memref<1x512x64xf32, #tpu.memory_space<vmem>>
    %dma_wait3A_182 = tpu.memref_squeeze %dma_wait3A_181 : memref<1x512x64xf32, #tpu.memory_space<vmem>> -> memref<512x64xf32, #tpu.memory_space<vmem>>
    %dma_wait3A_183 = arith.constant 0 : i32
    %dma_wait3A_184 = tpu.memref_slice %arg4[%add3A_177, %dma_wait3A_183] : memref<819200x64xf32, #tpu.memory_space<hbm>> -> memref<512x64xf32, #tpu.memory_space<hbm>>
    %dma_wait3A_185 = arith.constant 0 : i32
    %dma_wait3A_186 = tpu.memref_slice %arg4[%add3A_177, %dma_wait3A_185] : memref<819200x64xf32, #tpu.memory_space<hbm>> -> memref<512x64xf32, #tpu.memory_space<hbm>>
    %dma_wait3A_187 = arith.constant 0 : i32
    %dma_wait3A_188 = arith.constant 0 : i32
    %dma_wait3A_189 = tpu.memref_slice %arg6[%dma_wait3A_178, %dma_wait3A_187, %dma_wait3A_188] : memref<2x512x64xf32, #tpu.memory_space<vmem>> -> memref<1x512x64xf32, #tpu.memory_space<vmem>>
    %dma_wait3A_190 = tpu.memref_squeeze %dma_wait3A_189 : memref<1x512x64xf32, #tpu.memory_space<vmem>> -> memref<512x64xf32, #tpu.memory_space<vmem>>
    tpu.wait_dma2 semaphore(%arg9 : memref<!tpu.dma_semaphore, #tpu.memory_space<semaphore_mem>>) src(%dma_wait3A_190 : memref<512x64xf32, #tpu.memory_space<vmem>>) dst(%dma_wait3A_186 : memref<512x64xf32, #tpu.memory_space<hbm>>)
    %add3A_191 = arith.constant 25088 : i32
    %add3A_192 = arith.addi %mul3A_2, %add3A_191 : i32
    %dma_wait3A_193 = arith.constant 1 : i32
    %dma_wait3A_194 = arith.constant 0 : i32
    %dma_wait3A_195 = arith.constant 0 : i32
    %dma_wait3A_196 = tpu.memref_slice %arg6[%dma_wait3A_193, %dma_wait3A_194, %dma_wait3A_195] : memref<2x512x64xf32, #tpu.memory_space<vmem>> -> memref<1x512x64xf32, #tpu.memory_space<vmem>>
    %dma_wait3A_197 = tpu.memref_squeeze %dma_wait3A_196 : memref<1x512x64xf32, #tpu.memory_space<vmem>> -> memref<512x64xf32, #tpu.memory_space<vmem>>
    %dma_wait3A_198 = arith.constant 0 : i32
    %dma_wait3A_199 = tpu.memref_slice %arg4[%add3A_192, %dma_wait3A_198] : memref<819200x64xf32, #tpu.memory_space<hbm>> -> memref<512x64xf32, #tpu.memory_space<hbm>>
    %dma_wait3A_200 = arith.constant 0 : i32
    %dma_wait3A_201 = tpu.memref_slice %arg4[%add3A_192, %dma_wait3A_200] : memref<819200x64xf32, #tpu.memory_space<hbm>> -> memref<512x64xf32, #tpu.memory_space<hbm>>
    %dma_wait3A_202 = arith.constant 0 : i32
    %dma_wait3A_203 = arith.constant 0 : i32
    %dma_wait3A_204 = tpu.memref_slice %arg6[%dma_wait3A_193, %dma_wait3A_202, %dma_wait3A_203] : memref<2x512x64xf32, #tpu.memory_space<vmem>> -> memref<1x512x64xf32, #tpu.memory_space<vmem>>
    %dma_wait3A_205 = tpu.memref_squeeze %dma_wait3A_204 : memref<1x512x64xf32, #tpu.memory_space<vmem>> -> memref<512x64xf32, #tpu.memory_space<vmem>>
    tpu.wait_dma2 semaphore(%arg10 : memref<!tpu.dma_semaphore, #tpu.memory_space<semaphore_mem>>) src(%dma_wait3A_205 : memref<512x64xf32, #tpu.memory_space<vmem>>) dst(%dma_wait3A_201 : memref<512x64xf32, #tpu.memory_space<hbm>>)
    return
  }
}

module attributes {stable_mosaic.version = 14 : i64} {
  func.func @_wtr_body(%arg0: i32, %arg1: memref<64x2048xf32, #tpu.memory_space<vmem>>, %arg2: memref<1024x128xf32, #tpu.memory_space<vmem>>) attributes {dimension_semantics = [#tpu.dimension_semantics<arbitrary>], iteration_bounds = array<i64: 489>, scalar_prefetch = 0 : i64, scratch_operands = 0 : i64, tpu.core_type = #tpu.core_type<tc>, window_params = [{transform_indices = @transform_0, window_bounds = array<i64: 64, 2048>}, {transform_indices = @transform_1, window_bounds = array<i64: 1024, 128>}]} {
    %get3A = arith.constant 0 : index
    %get3A_0 = arith.constant 0 : index
    %get3A_1 = vector.load %arg1[%get3A, %get3A_0] : memref<64x2048xf32, #tpu.memory_space<vmem>>, vector<64x2048xf32>
    %transpose3A = tpu.transpose %get3A_1, [1, 0] : vector<64x2048xf32> -> vector<2048x64xf32>
    %reshape3A = vector.shape_cast %transpose3A : vector<2048x64xf32> to vector<1024x2x64xf32>
    %slice3A = vector.extract_strided_slice %reshape3A {offsets = [0, 0, 0], sizes = [1024, 1, 64], strides = [1, 1, 1]} : vector<1024x2x64xf32> to vector<1024x1x64xf32>
    %squeeze3A = vector.shape_cast %slice3A : vector<1024x1x64xf32> to vector<1024x64xf32>
    %slice3A_2 = vector.extract_strided_slice %reshape3A {offsets = [0, 1, 0], sizes = [1024, 1, 64], strides = [1, 1, 1]} : vector<1024x2x64xf32> to vector<1024x1x64xf32>
    %squeeze3A_3 = vector.shape_cast %slice3A_2 : vector<1024x1x64xf32> to vector<1024x64xf32>
    %concatenate3A = tpu.concatenate %squeeze3A, %squeeze3A_3 in 1 : vector<1024x64xf32>, vector<1024x64xf32> -> vector<1024x128xf32>
    %swap3A = arith.constant 0 : index
    %swap3A_4 = arith.constant 0 : index
    %swap3A_5 = vector.load %arg2[%swap3A, %swap3A_4] : memref<1024x128xf32, #tpu.memory_space<vmem>>, vector<1024x128xf32>
    tpu.vector_store %arg2[%swap3A, %swap3A_4], %concatenate3A {strides = array<i32>} : memref<1024x128xf32, #tpu.memory_space<vmem>>, vector<1024x128xf32>,
    return
  }
  func.func @transform_0(%arg0: i32) -> (i32, i32) {
    %c0_i32 = arith.constant 0 : i32
    %c0_i32_0 = arith.constant 0 : i32
    return %c0_i32, %arg0 : i32, i32
  }
  func.func @transform_1(%arg0: i32) -> (i32, i32) {
    %c0_i32 = arith.constant 0 : i32
    %c0_i32_0 = arith.constant 0 : i32
    return %arg0, %c0_i32 : i32, i32
  }
}

</mosaic_0001>

<sc_bundles>
// kernel: _embed.4.cloned.1.call-start
scs
__scs_entry_jumppad:
0x0: {  	(pc) =	sbr.rel $0x88, $3  }
0x1: {  	(tag) =	ssettag $0x0;
	lr =	simm.s32 $0x1  }
0x2: {  	[smem:$0x3F9F] =	sst lr;
	_ =	strace $0xD0000000  }
0x3: {  	_ = 	snop  }
0x4: {  	_ = 	snop  }
0x5: {  	_ = 	snop  }
0x6: {  	_ = 	snop  }
0x7: {  	_ = 	snop  }
__scs_overlays_trampoline_lowered:
0x8: {  	[smem:$0x3FAE] =	sst s0  }
0x9: {  	[smem:$0x3FAF] =	sst s1  }
0xa: {  	[smem:$0x3FB0] =	sst s2  }
0xb: {  	[smem:$0x3FB1] =	sst s3  }
0xc: {  	[smem:$0x3FB2] =	sst s4  }
0xd: {  	[smem:$0x3FB3] =	sst s5  }
0xe: {  	[smem:$0x3FB4] =	sst s6  }
0xf: {  	[smem:$0x3FB5] =	sst s7  }
0x10: {  	[smem:$0x3FB6] =	sst s8  }
0x11: {  	[smem:$0x3FB7] =	sst s9;
	s0 =	simm.s32 @!p0 $0x0  }
0x12: {  	s1 =	sld [smem:$0x3F9D];
	s0 =	simm.s32 @p0 $0x1  }
0x13: {  	[smem:$0x3FB8] =	sst s0;
	s0 =	simm.s32 @!p1 $0x0  }
0x14: {  	s2 =	sld [smem:$0x3F9C];
	s0 =	simm.s32 @p1 $0x1  }
0x15: {  	[smem:$0x3FB9] =	sst s0;
	s0 =	simm.s32 @!p2 $0x0  }
0x16: {  	s3 =	sld [smem:$0x3FDB];
	s0 =	simm.s32 @p2 $0x1  }
0x17: {  	s4 =	simm.s32 $0x1BF5;
	[smem:$0x3FBB] =	sst s0  }
0x18: {  	s0 =	sld [smem:$0x3F9E];
	_ =	swait.ge [sflag:s4], $0x0  }
0x19: {  	s7 =	sld [smem:$0x3F9F]  }
0x1a: {  	s8 =	sadd.s32 $0xFFFFE003, lr  }
0x1b: {  	s9 =	sadd.s32 $0xFFFFFEF7, lr;
	s5 =	simm.s32 $0xFFFFFFFF;
	p2 =	slt.u32 s8, $0xFFFFF086  }
0x1c: {  	p1 =	slt.u32 s9, $0xF7A;
	s5 =	simm.s32 @!p2 $0x0  }
0x1d: {  	s5 =	simm.s32 @p1 $0x1;
	p0 =	seq.s32 s7, s2  }
0x1e: {  	s7 =	smul.u32 @!p0 $0xF7A, s2;
	p2 =	seq.s32 @!p0 s5, $0x0  }
0x1f: {  	s9 =	smul.u32 $0xF7A, s1;
	s8 =	simm.s32 @!p0 $0x1BF5;
	p2 =	por !p2, p0  }
0x20: {  	[sflag:s8] =	ssyncset.s32 @!p0 $0xFFFFF086;
	s6 =	sadd.s32 @!p0 s3, s7;
	s7 =	simm.s32 @!p0 $0x108  }
0x21: {  	s3 =	sadd.s32 s3, s9;
	s6 =	sadd.s32 @!p0 $0x88, s6;
	s7 =	simm.s32 @p2 $0x1082  }
0x22: {  	[simem:s7], [sflag:s8] =	dma.local @!p0 [hbm:s6], $0xF7A  }
0x23: {  	s9 =	sor.u32 $0xD0000000, s2;
	s6 =	simm.s32 $0x108;
	_ =	swait.ge @!p0 [sflag:s8], $0x0  }
0x24: {  	s3 =	sadd.s32 $0x88, s3;
	s6 =	simm.s32 @!p1 $0x1082;
	[sflag:s4] =	ssyncset.s32 $0xFFFFF086  }
0x25: {  	[simem:s6], [sflag:s4] =	dma.local [hbm:s3], $0xF7A  }
0x26: {  	[smem:$0x3F9F] =	sst s1;
	(tag) =	ssettag s2;
	_ =	strace s9  }
0x27: {  	s1 =	sld [smem:$0x3FAF]  }
0x28: {  	s2 =	sld [smem:$0x3FB0]  }
0x29: {  	s4 =	sld [smem:$0x3FB2]  }
0x2a: {  	p0 =	seq.s32 s5, $0x0;
	s5 =	sld [smem:$0x3FB3]  }
0x2b: {  	s6 =	sld [smem:$0x3FB4]  }
0x2c: {  	s7 =	sld [smem:$0x3FB5]  }
0x2d: {  	s3 =	simm.s32 $0x108;
	s8 =	sld [smem:$0x3FB6]  }
0x2e: {  	s3 =	simm.s32 @!p0 $0x1082;
	s9 =	sld [smem:$0x3FB7]  }
0x2f: {  	lr =	sadd.s32 s0, s3;
	s0 =	sld [smem:$0x3FAE]  }
0x30: {  	s3 =	sld [smem:$0x3FB1]  }
0x31: {  	[smem:$0x3FBA] =	sst s10  }
0x32: {  	s10 =	sld [smem:$0x3FB8];
	_ =	sdelay $0x3  }
0x33: {  	p0 =	seq.s32 s10, $0x1;
	s10 =	sld [smem:$0x3FBA];
	_ =	sdelay $0x3  }
0x34: {  	[smem:$0x3FBA] =	sst s10  }
0x35: {  	s10 =	sld [smem:$0x3FB9];
	_ =	sdelay $0x3  }
0x36: {  	p1 =	seq.s32 s10, $0x1;
	s10 =	sld [smem:$0x3FBA];
	_ =	sdelay $0x3  }
0x37: {  	[smem:$0x3FBA] =	sst s10  }
0x38: {  	s10 =	sld [smem:$0x3FBB]  }
0x39: {  	_ = 	snop;
	(pc) =	sbr.ind lr, $3  }
0x3a: {  	_ = 	snop  }
0x3b: {  	_ = 	snop  }
0x3c: {  	p2 =	seq.s32 s10, $0x1;
	s10 =	sld [smem:$0x3FBA]  }
0x3d: {  	_ =	shalt  }
0x3e: {  	_ =	shalt  }
0x3f: {  	_ =	shalt  }
0x40: {  	_ =	shalt  }
0x41: {  	_ =	shalt  }
0x42: {  	_ =	shalt  }
0x43: {  	_ =	shalt  }
0x44: {  	_ =	shalt  }
0x45: {  	_ =	shalt  }
0x46: {  	_ =	shalt  }
0x47: {  	_ =	shalt  }
0x48: {  	_ =	shalt  }
0x49: {  	_ =	shalt  }
0x4a: {  	_ =	shalt  }
0x4b: {  	_ =	shalt  }
0x4c: {  	_ =	shalt  }
0x4d: {  	_ =	shalt  }
0x4e: {  	_ =	shalt  }
0x4f: {  	_ =	shalt  }
0x50: {  	_ =	shalt  }
0x51: {  	_ =	shalt  }
0x52: {  	_ =	shalt  }
0x53: {  	_ =	shalt  }
0x54: {  	_ =	shalt  }
0x55: {  	_ =	shalt  }
0x56: {  	_ =	shalt  }
0x57: {  	_ =	shalt  }
0x58: {  	_ =	shalt  }
0x59: {  	_ =	shalt  }
0x5a: {  	_ =	shalt  }
0x5b: {  	_ =	shalt  }
0x5c: {  	_ =	shalt  }
0x5d: {  	_ =	shalt  }
0x5e: {  	_ =	shalt  }
0x5f: {  	_ =	shalt  }
0x60: {  	_ =	shalt  }
0x61: {  	_ =	shalt  }
0x62: {  	_ =	shalt  }
0x63: {  	_ =	shalt  }
0x64: {  	_ =	shalt  }
0x65: {  	_ =	shalt  }
0x66: {  	_ =	shalt  }
0x67: {  	_ =	shalt  }
0x68: {  	_ =	shalt  }
0x69: {  	_ =	shalt  }
0x6a: {  	_ =	shalt  }
0x6b: {  	_ =	shalt  }
0x6c: {  	_ =	shalt  }
0x6d: {  	_ =	shalt  }
0x6e: {  	_ =	shalt  }
0x6f: {  	_ =	shalt  }
0x70: {  	_ =	shalt  }
0x71: {  	_ =	shalt  }
0x72: {  	_ =	shalt  }
0x73: {  	_ =	shalt  }
0x74: {  	_ =	shalt  }
0x75: {  	_ =	shalt  }
0x76: {  	_ =	shalt  }
0x77: {  	_ =	shalt  }
0x78: {  	_ =	shalt  }
0x79: {  	_ =	shalt  }
0x7a: {  	_ =	shalt  }
0x7b: {  	_ =	shalt  }
0x7c: {  	_ =	shalt  }
0x7d: {  	_ =	shalt  }
0x7e: {  	_ =	shalt  }
0x7f: {  	_ =	shalt  }
0x80: {  	_ =	shalt  }
0x81: {  	_ =	shalt  }
0x82: {  	_ =	shalt  }
0x83: {  	_ =	shalt  }
0x84: {  	_ =	shalt  }
0x85: {  	_ =	shalt  }
0x86: {  	_ =	shalt  }
0x87: {  	_ =	shalt  }
.Lfunc_end0:
.L_simem_size_0:
called_computation.1_lowered:
.L_overlay_start_0:
0x88: {  	s2 =	sld [smem:$0x3FD9]  }
0x89: {  	s3 =	sld [smem:$0x3FFE];
	_ =	sdelay $0x1  }
0x8a: {  	s1 =	srdreg.scid  }
0x8b: {  	s0 =	sand.u32 $0x1, s1  }
0x8c: {  	s17 =	sshll.u32 s0, $0xA;
	s2 =	sadd.s32 s3, s2  }
0x8d: {  	s2 =	sadd.s32 s2, s17  }
0x8e: {  	[smem:$0x3FC6] =	sst s2  }
0x8f: {  	_ = 	snop  }
0x90: {  	s2 =	sld [smem:$0x3FD0];
	(tm) =	ssettm $0x1  }
0x91: {  	s18 =	sld [smem:$0x3FFB];
	_ =	sdelay $0x3  }
0x92: {  	_ =	strace s18  }
0x93: {  	s3 =	sld [smem:$0x3FFC];
	_ =	sdelay $0x3  }
0x94: {  	_ =	strace s3  }
0x95: {  	s3 =	sld [smem:$0x3FFD];
	_ =	sdelay $0x3  }
0x96: {  	_ =	strace s3  }
0x97: {  	_ =	strace $0x8FFFFFFF  }
0x98: {  	s19 =	sld [smem:$0x3FDB];
	_ =	sdelay $0x1  }
0x99: {  	s4 =	simm.s32 $_scs_section_size  }
0x9a: {  	s5 =	simm.s32 $_size__tile_overlayer_lowered;
	s6 =	simm.s32 $_tile_overlayer_lowered  }
0x9b: {  	s22 =	simm.s32 $0x1BFF;
	s21 =	sshll.u32 s6, $0x1;
	s3 =	sadd.s32 s4, s19  }
0x9c: {  	s7 =	simm.s32 $0x0;
	s20 =	sshll.u32 s5, $0x1;
	s5 =	sadd.s32 s21, s3  }
0x9d: {  	[timem:s7], [sflag:s22] =	dma.local [hbm:s5], s20  }
0x9e: {  	_ =	swait.ge [sflag:s22], s20  }
0x9f: {  	s4 =	ssub.s32 $0x0, s20;
	[sflag:s22] =	ssyncset.done $0x0  }
0xa0: {  	[sflag:s22] =	ssyncadd.s32 s4;
	_ =	sdelay $0x1  }
0xa1: {  	s23 =	simm.s32 $0x1B8B  }
0xa2: {  	_ =	swait.ge [sflag:s23], $0x1  }
0xa3: {  	[sflag:s23] =	ssyncset.done $0x0  }
0xa4: {  	s25 =	simm.s32 $0x1B8E;
	s24 =	sld [smem:$0x3FFE];
	[sflag:s23] =	ssyncadd.s32 $0xFFFFFFFF  }
0xa5: {  	s26 =	simm.s32 $execute0_lowered;
	[smem:$0x3FD2] =	sst s25  }
0xa6: {  	s5 =	sshll.u32 s26, $0x1;
	_ =	strace $0x80000046;
	[dreg:$0x1] =	wrdreg $0xFFFFFFFF  }
0xa7: {  	s28 =	simm.s32 $_size_execute0_lowered;
	s3 =	sadd.s32 s3, s5;
	[dreg:$0x0] =	wrdreg $0x0  }
0xa8: {  	s5 =	sshll.u32 s28, $0x1;
	[dreg:$0x2] =	wrdreg s3  }
0xa9: {  	[dreg:$0x3] =	wrdreg s5  }
0xaa: {  	[dreg:$0x4] =	wrdreg $0xC0  }
0xab: {  	_ =	task [dreg:s7], $0x5FFFF  }
0xac: {  	[dreg:$0x1] =	wrdreg $0xFFFFFFFF  }
0xad: {  	[dreg:$0x0] =	wrdreg $0x60  }
0xae: {  	[dreg:$0x2] =	wrdreg s24  }
0xaf: {  	[dreg:$0x3] =	wrdreg s2  }
0xb0: {  	[dreg:$0x4] =	wrdreg $0x9  }
0xb1: {  	_ =	task.clear_ibuf [dreg:s7], $0x5FFFF;
	_ =	strace $0x90000046  }
0xb2: {  	s29 =	simm.s32 $0x9;
	_ =	strace $0x80000048  }
0xb3: {  	_ =	swait.ge [sflag:s29], $0x1  }
0xb4: {  	[sflag:s29] =	ssyncadd.s32 $0xFFFFFFFF  }
0xb5: {  	_ =	strace $0x90000048  }
0xb6: {  	_ =	sfence  }
0xb7: {  	s30 =	sld [smem:$0x0];
	_ =	sdelay $0x2  }
0xb8: {  	s31 =	sshll.u32 s1, $0xD;
	s1 =	sshrl.u32 s1, $0x2  }
0xb9: {  	s3 =	sand.u32 $0x4000, s31;
	s1 =	sadd.s32 s1, s30  }
0xba: {  	s0 =	sor.u32 s3, s0;
	s1 =	sshll.u32 s1, $0x11  }
0xbb: {  	s0 =	sor.u32 s1, s0  }
0xbc: {  	s0 =	sadd.s32 $0x8F2B, s0  }
0xbd: {  	[sflag:s0] =	ssyncadd.remote.s32 $0x1  }
0xbe: {  	_ =	sfence.sel $0xFFFF  }
0xbf: {  	[dreg:$0x0] =	wrdreg $0xFFFFFFFF;
	(pc) =	sbr.abs _section_cstart, $3  }
0xc0: {  	[dreg:$0x1] =	wrdreg $0xFFFFFFFF  }
0xc1: {  	_ =	task.clear_ibuf [dreg:s7], $0x2FFFF;
	_ =	strace $0x9FFFFFFF  }
0xc2: {  	(tm) =	ssettm $0x7FFFFFFF  }
0xc3: {  	_ =	shalt  }
tec
execute0_lowered:
.L_overlay_start_1:
0x0: {  	(tag) =	ssettag $0x1  }
0x1: {  	s4 =	rddreg [dreg:$0x0];
	s1 =	srdreg.scid  }
0x2: {  	s0 =	stileid.u32;
	s2 =	rddreg [dreg:$0x1]  }
0x3: {  	s3 =	simm.s32 $0x0;
	s15 =	simm.s32 $0x6400;
	s16 =	simm.s32 $0x1  }
0x4: {  	s17 =	simm.s32 $0xE400;
	s18 =	simm.s32 $0x2;
	s19 =	simm.s32 $0x3  }
0x5: {  	s20 =	simm.s32 $0x400;
	s21 =	simm.s32 $0x4;
	s11 =	smul.u32 $0x320000, s0  }
0x6: {  	s22 =	simm.s32 $0x6200;
	s7 =	sand.u32 $0x1, s1;
	s30 =	smul.u32 $0xC800, s0  }
0x7: {  	s23 =	simm.s32 $0x0;
	s5 =	sshll.u32 s0, $0x1;
	s13 =	smul.u32 $0x6400, s7  }
0x8: {  	s1 =	rddreg [dreg:$0x2];
	s5 =	sor.u32 s7, s5;
	s14 =	smul.u32 $0x190000, s7  }
0x9: {  	[smem:$0x7FF] =	sst s3;
	s9 =	ssub.s32 $0x2, s7;
	s6 =	smul.u32 $0x6400, s5  }
0xa: {  	_ =	strace $0x80000047;
	s8 =	smul.u32 $0x32000, s5;
	s29 =	sshrl.u32 s9, $0x1  }
0xb: {  	s10 =	smul.u32 $0x190000, s5;
	s12 =	ssub.s32 s9, s29;
	s13 =	sadd.s32 s13, s30  }
0xc: {  	s11 =	sadd.s32 s14, s11;
	s14 =	simm.s32 $0x200;
	s6 =	sshrl.u32 s6, $0x3  }
0xd: {  	s10 =	sshrl.u32 s10, $0x3;
	s13 =	sshll.u32 s13, $0x3;
	s11 =	sadd.s32 $0x10000, s11  }
0xe: {  	s28 =	sadd.s32 s6, s4;
	s4 =	sadd.s32 $0x19800, s4;
	s6 =	sadd.s32 s2, s8  }
0xf: {  	s10 =	sadd.s32 s2, s10;
	s31 =	sadd.s32 s2, s13;
	s13 =	simm.s32 $0x5  }
0x10: {  	s5 =	sadd.s32 $0x800, s28;
	s7 =	sadd.s32 $0x1000, s6;
	s8 =	sadd.s32 $0x30000, s10  }
0x11: {  	s9 =	sadd.s32 $0x31000, s10;
	s10 =	smax.u32 s12, $0x1;
	s12 =	sadd.s32 $0x3000, s31  }
.LBB2_1:
0x12: {  	[tilespmem:s3], [sflag:$0x5] =	stream.linear.gather [hbm4b:s5+s3], $0x6400, $0x38;
	[tilespmem:$0x16400] =	vst v63  }
0x13: {  	_ =	swait.ge [sflag:s13], $0x6400  }
0x14: {  	[sflag:s13] =	ssyncset.done $0x0  }
0x15: {  	[sflag:s13] =	ssyncadd.s32 $0xFFFF9C00  }
0x16: {  	[tilespmem:s15], [sflag:$0x1] =	stream.indirect.gather [hbm4b:s4+s14], $0x40, s3, s14, $0xb8;
	[tilespmem:$0x16400] =	vst v63  }
0x17: {  	_ =	swait.ge [sflag:s16], $0x8000  }
0x18: {  	[sflag:s16] =	ssyncset.done $0x0  }
0x19: {  	[sflag:s16] =	ssyncadd.s32 $0xFFFF8000  }
0x1a: {  	[hbm4b:s6+s3] =	stream.linear.scatter [tilespmem:s15], [sflag:$0x3], $0x8000, $0x38;
	[tilespmem:$0x16400] =	vst v63  }
0x1b: {  	_ = 	snop  }
0x1c: {  	[tilespmem:s17], [sflag:$0x2] =	stream.indirect.gather [hbm4b:s4+s14], $0x40, s14, s14, $0xb8;
	[tilespmem:$0x16400] =	vst v63  }
0x1d: {  	_ =	swait.ge [sflag:s18], $0x8000  }
0x1e: {  	[sflag:s18] =	ssyncset.done $0x0  }
0x1f: {  	[sflag:s18] =	ssyncadd.s32 $0xFFFF8000  }
0x20: {  	[hbm4b:s7+s3] =	stream.linear.scatter [tilespmem:s17], [sflag:$0x4], $0x8000, $0x38;
	[tilespmem:$0x16400] =	vst v63  }
0x21: {  	_ =	swait.ge [sflag:s19], $0x8000  }
0x22: {  	[sflag:s19] =	ssyncset.done $0x0  }
0x23: {  	[sflag:s19] =	ssyncadd.s32 $0xFFFF8000  }
0x24: {  	[tilespmem:s15], [sflag:$0x1] =	stream.indirect.gather [hbm4b:s4+s14], $0x40, s20, s14, $0xb8;
	[tilespmem:$0x16400] =	vst v63  }
0x25: {  	_ =	swait.ge [sflag:s16], $0x8000  }
0x26: {  	s24 =	sshrl.u32 s11, $0x3;
	[sflag:s16] =	ssyncset.done $0x0  }
0x27: {  	s24 =	sadd.s32 s2, s24;
	[sflag:s16] =	ssyncadd.s32 $0xFFFF8000  }
0x28: {  	[hbm4b:s24+s3] =	stream.linear.scatter [tilespmem:s15], [sflag:$0x3], $0x8000, $0x38;
	[tilespmem:$0x16400] =	vst v63  }
0x29: {  	_ =	swait.ge [sflag:s21], $0x8000  }
0x2a: {  	[sflag:s21] =	ssyncset.done $0x0  }
0x2b: {  	s30 =	simm.s32 $0x600;
	[sflag:s21] =	ssyncadd.s32 $0xFFFF8000  }
0x2c: {  	[tilespmem:s17], [sflag:$0x2] =	stream.indirect.gather [hbm4b:s4+s14], $0x40, s30, s14, $0xb8;
	[tilespmem:$0x16400] =	vst v63  }
0x2d: {  	_ =	swait.ge [sflag:s18], $0x8000  }
0x2e: {  	[sflag:s18] =	ssyncset.done $0x0  }
0x2f: {  	s31 =	sadd.s32 $0x0, s12;
	[sflag:s18] =	ssyncadd.s32 $0xFFFF8000  }
0x30: {  	[hbm4b:s31+s3] =	stream.linear.scatter [tilespmem:s17], [sflag:$0x4], $0x8000, $0x38;
	[tilespmem:$0x16400] =	vst v63  }
0x31: {  	_ =	swait.ge [sflag:s19], $0x8000  }
0x32: {  	s25 =	simm.s32 $0x2000;
	s26 =	sadd.s32 $0x10000, s11;
	[sflag:s19] =	ssyncset.done $0x0  }
0x33: {  	s28 =	simm.s32 $0xC00;
	s24 =	simm.s32 $0x800;
	[sflag:s19] =	ssyncadd.s32 $0xFFFF8000  }
.LBB2_2:
0x34: {  	[tilespmem:s15], [sflag:$0x1] =	stream.indirect.gather [hbm4b:s4+s14], $0x40, s24, s14, $0xb8;
	[tilespmem:$0x16400] =	vst v63  }
0x35: {  	s29 =	smov.u32 s25;
	s24 =	smov.u32 s28  }
0x36: {  	p0 =	sne.s32 s25, $0x2C000;
	s25 =	sadd.s32 $0x2000, s25;
	_ =	swait.ge [sflag:s16], $0x8000  }
0x37: {  	s30 =	sshrl.u32 s26, $0x3;
	[sflag:s16] =	ssyncset.done $0x0  }
0x38: {  	s30 =	sadd.s32 s2, s30;
	[sflag:s16] =	ssyncadd.s32 $0xFFFF8000  }
0x39: {  	[hbm4b:s30+s3] =	stream.linear.scatter [tilespmem:s15], [sflag:$0x3], $0x8000, $0x38;
	[tilespmem:$0x16400] =	vst v63  }
0x3a: {  	_ =	swait.ge [sflag:s21], $0x8000  }
0x3b: {  	[sflag:s21] =	ssyncset.done $0x0  }
0x3c: {  	s30 =	sadd.s32 $0xFFFFFE00, s28;
	[sflag:s21] =	ssyncadd.s32 $0xFFFF8000  }
0x3d: {  	[tilespmem:s17], [sflag:$0x2] =	stream.indirect.gather [hbm4b:s4+s14], $0x40, s30, s14, $0xb8;
	[tilespmem:$0x16400] =	vst v63  }
0x3e: {  	_ =	swait.ge [sflag:s18], $0x8000  }
0x3f: {  	[sflag:s18] =	ssyncset.done $0x0  }
.Ltmp0:
0x40: {  	s29 =	sadd.s32 s29, s12;
	[sflag:s18] =	ssyncadd.s32 $0xFFFF8000;
	(pc) =	sbr.rel @p0 .LBB2_2-.Ltmp0, $4  }
0x41: {  	[hbm4b:s29+s3] =	stream.linear.scatter [tilespmem:s17], [sflag:$0x4], $0x8000, $0x38;
	[tilespmem:$0x16400] =	vst v63  }
0x42: {  	_ =	swait.ge [sflag:s19], $0x8000  }
0x43: {  	[sflag:s19] =	ssyncset.done $0x0  }
0x44: {  	s26 =	sadd.s32 $0x10000, s26;
	s28 =	sadd.s32 $0x400, s28;
	[sflag:s19] =	ssyncadd.s32 $0xFFFF8000  }
0x45: {  	[tilespmem:s15], [sflag:$0x1] =	stream.indirect.gather [hbm4b:s4+s14], $0x40, s24, s14, $0xb8;
	[tilespmem:$0x16400] =	vst v63  }
0x46: {  	_ =	swait.ge [sflag:s16], $0x8000  }
0x47: {  	[sflag:s16] =	ssyncset.done $0x0  }
0x48: {  	[sflag:s16] =	ssyncadd.s32 $0xFFFF8000  }
0x49: {  	[hbm4b:s8+s3] =	stream.linear.scatter [tilespmem:s15], [sflag:$0x3], $0x8000, $0x38;
	[tilespmem:$0x16400] =	vst v63  }
0x4a: {  	_ =	swait.ge [sflag:s21], $0x8000  }
0x4b: {  	[sflag:s21] =	ssyncset.done $0x0  }
0x4c: {  	[sflag:s21] =	ssyncadd.s32 $0xFFFF8000  }
0x4d: {  	[tilespmem:s17], [sflag:$0x2] =	stream.indirect.gather [hbm4b:s4+s14], $0x40, s22, s14, $0xb8;
	[tilespmem:$0x16400] =	vst v63  }
0x4e: {  	_ =	swait.ge [sflag:s18], $0x8000  }
0x4f: {  	[sflag:s18] =	ssyncset.done $0x0  }
0x50: {  	s23 =	sadd.s32 $0x1, s23;
	[sflag:s18] =	ssyncadd.s32 $0xFFFF8000  }
0x51: {  	[hbm4b:s9+s3] =	stream.linear.scatter [tilespmem:s17], [sflag:$0x4], $0x8000, $0x38;
	[tilespmem:$0x16400] =	vst v63  }
0x52: {  	p0 =	sne.s32 s23, s10;
	_ =	swait.ge [sflag:s19], $0x8000  }
.Ltmp1:
0x53: {  	[sflag:s19] =	ssyncset.done $0x0;
	(pc) =	sbr.rel @p0 .LBB2_1-.Ltmp1, $4  }
0x54: {  	[sflag:s19] =	ssyncadd.s32 $0xFFFF8000  }
0x55: {  	_ =	swait.ge [sflag:s21], $0x8000  }
0x56: {  	[sflag:s21] =	ssyncset.done $0x0  }
0x57: {  	[sflag:s21] =	ssyncadd.s32 $0xFFFF8000  }
0x58: {  	_ =	sfence.sel $0x180000  }
0x59: {  	[bflag:$0x0] =	sbarrier.arrive $0xFFFF  }
0x5a: {  	p0 =	sne.s32 s0, $0x0;
	_ =	strace $0x90000047  }
0x5b: {  	s0 =	sadd.s32 @!p0 $0x100000, s1;
	[bflag:$0x2] =	sbarrier.arrive $0xFFFF  }
0x5c: {  	[sflag:s0] =	ssyncadd.tile.s32 @!p0 $0x1;
	_ =	shalt  }
.Lfunc_end2:
_tile_overlayer_lowered:
.L_overlay_start_2:
0x5d: {  	(tag) =	ssettag $0x2  }
0x5e: {  	s0 =	rddreg [dreg:$0x0];
	s2 =	stileid.u32  }
0x5f: {  	s1 =	rddreg [dreg:$0x1];
	p0 =	sne.s32 s2, $0x0  }
0x60: {  	s3 =	rddreg [dreg:$0x2];
	[bflag:$0x3] =	sbarrier.arrive $0xFFFF;
	s2 =	simm.s32 @!p0 $0x1C05  }
0x61: {  	[timem:s3], [sflag:s2] =	dma.local @!p0 [hbm:s0], s1  }
0x62: {  	s0 =	simm.s32 @!p0 $0x5  }
0x63: {  	_ =	swait.ge @!p0 [sflag:s0], s1  }
0x64: {  	s1 =	ssub.s32 @!p0 $0x0, s1;
	[sflag:s0] =	ssyncset.done @!p0 $0x0  }
0x65: {  	[sflag:s0] =	ssyncadd.s32 @!p0 s1  }
0x66: {  	[bflag:$0x3] =	sbarrier.arrive $0xFFFF  }
0x67: {  	_ =	shalt  }

// kernel: sparse-core-data-format-call.cloned.1.call-start
scs
called_computation_lowered:
.L_overlay_start_0:
0x0: {  	s2 =	sld [smem:$0x3FD9]  }
0x1: {  	s3 =	sld [smem:$0x3FFE];
	_ =	sdelay $0x1  }
0x2: {  	s1 =	srdreg.scid  }
0x3: {  	s0 =	sand.u32 $0x1, s1  }
0x4: {  	s18 =	sshll.u32 s0, $0xA;
	s2 =	sadd.s32 s3, s2  }
0x5: {  	s2 =	sadd.s32 s2, s18  }
0x6: {  	[smem:$0x3FC6] =	sst s2  }
0x7: {  	_ = 	snop  }
0x8: {  	s2 =	sld [smem:$0x3FD0];
	(tm) =	ssettm $0x1  }
0x9: {  	s19 =	sld [smem:$0x3FFB];
	_ =	sdelay $0x3  }
0xa: {  	_ =	strace s19  }
0xb: {  	s3 =	sld [smem:$0x3FFC];
	_ =	sdelay $0x3  }
0xc: {  	_ =	strace s3  }
0xd: {  	s3 =	sld [smem:$0x3FFD];
	_ =	sdelay $0x3  }
0xe: {  	_ =	strace s3  }
0xf: {  	_ =	strace $0x8FFFFFFF  }
0x10: {  	s20 =	sld [smem:$0x3FDB];
	_ =	sdelay $0x1  }
0x11: {  	s4 =	simm.s32 $_scs_section_size  }
0x12: {  	s5 =	simm.s32 $_size__tile_overlayer_lowered;
	s6 =	simm.s32 $_tile_overlayer_lowered  }
0x13: {  	s23 =	simm.s32 $0x1BFF;
	s22 =	sshll.u32 s6, $0x1;
	s3 =	sadd.s32 s4, s20  }
0x14: {  	s7 =	simm.s32 $0x0;
	s21 =	sshll.u32 s5, $0x1;
	s5 =	sadd.s32 s22, s3  }
0x15: {  	[timem:s7], [sflag:s23] =	dma.local [hbm:s5], s21  }
0x16: {  	_ =	swait.ge [sflag:s23], s21  }
0x17: {  	s4 =	ssub.s32 $0x0, s21;
	[sflag:s23] =	ssyncset.done $0x0  }
0x18: {  	[sflag:s23] =	ssyncadd.s32 s4;
	_ =	sdelay $0x1  }
0x19: {  	s24 =	simm.s32 $0x1B8B  }
0x1a: {  	_ =	swait.ge [sflag:s24], $0x1  }
0x1b: {  	[sflag:s24] =	ssyncset.done $0x0  }
0x1c: {  	s26 =	simm.s32 $0x1B8E;
	s25 =	sld [smem:$0x3FFE];
	[sflag:s24] =	ssyncadd.s32 $0xFFFFFFFF  }
0x1d: {  	s27 =	simm.s32 $execute0_lowered;
	[smem:$0x3FD2] =	sst s26  }
0x1e: {  	s5 =	sshll.u32 s27, $0x1;
	_ =	strace $0x80000049;
	[dreg:$0x1] =	wrdreg $0xFFFFFFFF  }
0x1f: {  	s28 =	simm.s32 $_size_execute0_lowered;
	s3 =	sadd.s32 s3, s5;
	[dreg:$0x0] =	wrdreg $0x0  }
0x20: {  	s5 =	sshll.u32 s28, $0x1;
	[dreg:$0x2] =	wrdreg s3  }
0x21: {  	[dreg:$0x3] =	wrdreg s5  }
0x22: {  	[dreg:$0x4] =	wrdreg $0xC0  }
0x23: {  	_ =	task [dreg:s7], $0x5FFFF  }
0x24: {  	[dreg:$0x1] =	wrdreg $0xFFFFFFFF  }
0x25: {  	[dreg:$0x0] =	wrdreg $0x60  }
0x26: {  	[dreg:$0x2] =	wrdreg s25  }
0x27: {  	[dreg:$0x3] =	wrdreg s2  }
0x28: {  	[dreg:$0x4] =	wrdreg $0x9  }
0x29: {  	_ =	task.clear_ibuf [dreg:s7], $0x5FFFF;
	_ =	strace $0x90000049  }
0x2a: {  	s29 =	simm.s32 $0x9;
	_ =	strace $0x8000004B  }
0x2b: {  	_ =	swait.ge [sflag:s29], $0x1  }
0x2c: {  	[sflag:s29] =	ssyncadd.s32 $0xFFFFFFFF  }
0x2d: {  	_ =	strace $0x9000004B  }
0x2e: {  	_ =	sfence  }
0x2f: {  	s30 =	sld [smem:$0x0];
	_ =	sdelay $0x2  }
0x30: {  	s31 =	sshll.u32 s1, $0xD;
	s1 =	sshrl.u32 s1, $0x2  }
0x31: {  	s3 =	sand.u32 $0x4000, s31;
	s1 =	sadd.s32 s1, s30  }
0x32: {  	s0 =	sor.u32 s3, s0;
	s1 =	sshll.u32 s1, $0x11  }
0x33: {  	s0 =	sor.u32 s1, s0  }
0x34: {  	s0 =	sadd.s32 $0x8F2B, s0  }
0x35: {  	[sflag:s0] =	ssyncadd.remote.s32 $0x1  }
0x36: {  	_ =	sfence.sel $0xFFFF  }
0x37: {  	[dreg:$0x0] =	wrdreg $0xFFFFFFFF;
	(pc) =	sbr.abs _section_cstart, $3  }
0x38: {  	[dreg:$0x1] =	wrdreg $0xFFFFFFFF  }
0x39: {  	_ =	task.clear_ibuf [dreg:s7], $0x2FFFF;
	_ =	strace $0x9FFFFFFF  }
0x3a: {  	(tm) =	ssettm $0x7FFFFFFF  }
0x3b: {  	_ =	shalt  }
tec
execute0_lowered:
.L_overlay_start_1:
0x0: {  	(tag) =	ssettag $0x1  }
0x1: {  	s0 =	srdreg.scid  }
0x2: {  	s1 =	sshll.u32 s0, $0x4  }
0x3: {  	s0 =	stileid.u32;
	s1 =	sand.u32 $0x10, s1  }
0x4: {  	s1 =	sor.u32 s0, s1  }
0x5: {  	s6 =	rddreg [dreg:$0x0];
	s4 =	simm.s32 $0x1;
	s2 =	sshll.u32 s1, $0x7  }
0x6: {  	s7 =	simm.s32 $0x2;
	s12 =	simm.s32 $0x0;
	s1 =	ssub.s32 $0x4000, s2  }
0x7: {  	s8 =	simm.s32 $0x20000;
	s13 =	simm.s32 $0x0;
	s3 =	sand.u32 $0xF80, s1  }
0x8: {  	s9 =	simm.s32 $0x0;
	s5 =	sshrl.u32 s1, $0xC;
	p0 =	sne.s32 s3, $0x0  }
.Ltmp0:
0x9: {  	s1 =	rddreg [dreg:$0x2];
	s4 =	simm.s32 @!p0 $0x0;
	(pc) =	sbr.rel .LBB1_1-.Ltmp0, $4  }
0xa: {  	s11 =	simm.s32 $0x0;
	s3 =	rddreg [dreg:$0x1];
	s5 =	sadd.s32 s4, s5  }
0xb: {  	_ =	strace $0x8000004A;
	s4 =	simm.s32 $0x1;
	s5 =	smul.u32 $0x32, s5  }
0xc: {  	s6 =	sadd.s32 $0x800, s6;
	s10 =	smov.u32 s2;
	[sflag:s4] =	ssyncpa.u1 $0x0  }
0xd: {  	p0 =	por $0x0, $0x0;
	[sflag:s7] =	ssyncpa.u1 $0x0;
	s7 =	sor.u32 $0x1, s5  }
.LBB1_4:
0xe: {  	s16 =	sshll.u32 s13, $0x3;
	s17 =	sand.u32 $0x78, s13  }
0xf: {  	s30 =	sand.u32 $0x1F800, s13;
	s12 =	sshll.u32 s12, $0x11;
	s16 =	sand.u32 $0x3C00, s16  }
0x10: {  	[tilespmem:s15+$0x810 ss:$0x81] =	vst.msk $0xffff, v2;
	s31 =	sand.u32 $0x7, s13;
	s16 =	sor.u32 s17, s16;
	s17 =	sadd.s32 s3, s30  }
0x11: {  	[tilespmem:s15+$0x1020 ss:$0x81] =	vst.msk $0xffff, v0;
	s13 =	sshll.u32 s31, $0x12;
	s12 =	sadd.s32 s12, s17;
	s16 =	sshrl.u32 s16, $0x3  }
0x12: {  	[tilespmem:s15+$0x0 ss:$0x81] =	vst.msk $0xffff, v1;
	s13 =	sor.u32 $0x400, s13;
	s12 =	sadd.s32 s16, s12  }
0x13: {  	[hbm4b:s12+s13] =	stream.strided.scatter [tilespmem:s14], [sflag:$0x2], $0x2000, s8, s13, $0x20;
	[tilespmem:$0x8080] =	vst v63  }
.LBB1_5:
0x14: {  	s14 =	sadd.s32 $0x1, s9  }
0x15: {  	s12 =	sadd.s32 $0x1000, s10;
	s16 =	smov.u32 s10;
	p2 =	sgt.s32 s14, $0x31  }
0x16: {  	s16 =	smov.u32 @p2 s12  }
0x17: {  	s14 =	simm.s32 @p2 $0x0;
	p2 =	sgt.s32 s16, $0x3FFF  }
0x18: {  	s16 =	smov.u32 @p2 s2;
	p2 =	sne.s32 s11, s7  }
.Ltmp1:
0x19: {  	p1 =	slt.u32 s11, $0x2;
	(pc) =	sbr.rel @!p2 .LBB1_6-.Ltmp1, $4  }
0x1a: {  	s15 =	simm.s32 @!p1 $0x2  }
0x1b: {  	s13 =	smov.u32 s10;
	p0 =	por !p0, !p0;
	_ =	swait.ge @!p1 [sflag:s15], $0x2000  }
0x1c: {  	s12 =	smov.u32 s9;
	[sflag:s15] =	ssyncset.done @!p1 $0x0;
	s9 =	smov.u32 s14  }
0x1d: {  	s11 =	sadd.s32 $0x1, s11;
	[sflag:s15] =	ssyncadd.s32 @!p1 $0xFFFFE000;
	s10 =	smov.u32 s16  }
.LBB1_1:
0x1e: {  	p1 =	sge.u32 s11, s5  }
0x1f: {  	s14 =	sand.u32 @!p1 $0x1FFFFFF, s9  }
0x20: {  	s15 =	smulhi.u32 @!p1 $0x4924925, s14;
	_ =	sdelay $0x1  }
0x21: {  	s15 =	smul.u32 @!p1 $0x38, s15  }
0x22: {  	s16 =	sxor.u32 @!p1 $0xFFFFFFFF, s11;
	s17 =	smul.u32 @!p1 $0x380, s10  }
0x23: {  	s31 =	sadd.s32 $0xFFFFFFFF, s11;
	s16 =	sshll.u32 @!p1 s16, $0xD;
	s14 =	ssub.s32 @!p1 s14, s15  }
0x24: {  	s15 =	sand.u32 @!p1 $0x2000, s16;
	s16 =	sadd.s32 @!p1 s6, s17;
	s14 =	sshll.u32 @!p1 s14, $0x4  }
0x25: {  	s17 =	simm.s32 @!p1 $0x1C00;
	s14 =	sadd.s32 @!p1 s14, s16;
	s16 =	simm.s32 @!p1 $0x40  }
0x26: {  	[tilespmem:s15], [sflag:$0x1] =	stream.strided.gather @!p1 [hbm4b:s14+s16], $0x2000, s17, s16, $0x38;
	[tilespmem:$0x8080] =	vst v63  }
0x27: {  	p1 =	sge.u32 s31, s5  }
.Ltmp2:
0x28: {  	_ = 	snop;
	(pc) =	sbr.rel @p1 .LBB1_5-.Ltmp2, $1  }
0x29: {  	_ =	sdelay $0x3  }
0x2a: {  	s14 =	simm.s32 $0x1  }
0x2b: {  	_ =	swait.ge [sflag:s4], $0x2000;
	s14 =	simm.s32 @!p0 $0x0  }
0x2c: {  	[sflag:s4] =	ssyncset.done $0x0;
	s15 =	sshll.u32 s14, $0xD  }
0x2d: {  	[sflag:s4] =	ssyncadd.s32 $0xFFFFE000;
	s18 =	sor.u32 $0x20, s15  }
0x2e: {  	s14 =	smul.u32 $0x8100, s14;
	v3 =	vld [tilespmem:s18+$0x10]  }
0x2f: {  	s30 =	sand.u32 $0x1, s11;
	v2 =	vld [tilespmem:s18+$0xFFFFFFF0]  }
0x30: {  	s15 =	smul.u32 $0x8100, s30;
	s14 =	sshrl.u32 s14, $0x2;
	v0 =	vld [tilespmem:s18+$0x0]  }
0x31: {  	v1 =	vld [tilespmem:s18+$0xFFFFFFE0];
	s16 =	sor.u32 $0x4000, s14  }
0x32: {  	s31 =	sshrl.u32 s15, $0x2;
	s15 =	sadd.s32 $0x0, s16  }
0x33: {  	s17 =	simm.s32 $0x4;
	s18 =	sadd.s32 $0x40, s18;
	s14 =	sor.u32 $0x4000, s31;
	[tilespmem:s15+$0x1830 ss:$0x81] =	vst.msk $0xffff, v3  }
.LBB1_3:
0x34: {  	v3 =	vld [tilespmem:s18+$0x10];
	p1 =	sne.s32 s17, $0x1FC;
	[tilespmem:s15+$0x810 ss:$0x81] =	vst.msk $0xffff, v2;
	s19 =	smov.u32 s17;
	s17 =	sadd.s32 $0x4, s17  }
.Ltmp3:
0x35: {  	v2 =	vld [tilespmem:s18+$0xFFFFFFF0];
	[tilespmem:s15+$0x1020 ss:$0x81] =	vst.msk $0xffff, v0;
	(pc) =	sbr.rel @p1 .LBB1_3-.Ltmp3, $4  }
0x36: {  	v0 =	vld [tilespmem:s18+$0x0];
	[tilespmem:s15+$0x0 ss:$0x81] =	vst.msk $0xffff, v1  }
0x37: {  	s15 =	sshra.s32 s19, $0x2;
	v1 =	vld [tilespmem:s18+$0xFFFFFFE0]  }
0x38: {  	s15 =	sadd.s32 s15, s16  }
0x39: {  	s18 =	sadd.s32 $0x40, s18;
	[tilespmem:s15+$0x1830 ss:$0x81] =	vst.msk $0xffff, v3  }
.Ltmp4:
0x3a: {  	_ = 	snop;
	(pc) =	sbr.rel .LBB1_4-.Ltmp4, $1  }
0x3b: {  	_ =	sdelay $0x3  }
.LBB1_6:
0x3c: {  	_ =	sfence.sel $0x180000  }
0x3d: {  	s2 =	simm.s32 $0x1;
	[bflag:$0x0] =	sbarrier.arrive $0xFFFF  }
0x3e: {  	s31 =	simm.s32 $0x2;
	[sflag:s2] =	ssyncpa.u1 $0x1  }
0x3f: {  	[sflag:s31] =	ssyncpa.u1 $0x1  }
0x40: {  	p0 =	sne.s32 s0, $0x0;
	_ =	strace $0x9000004A  }
0x41: {  	s0 =	sadd.s32 @!p0 $0x100000, s1;
	[bflag:$0x2] =	sbarrier.arrive $0xFFFF  }
0x42: {  	[sflag:s0] =	ssyncadd.tile.s32 @!p0 $0x1;
	_ =	shalt  }
.Lfunc_end1:
_tile_overlayer_lowered:
.L_overlay_start_2:
0x43: {  	(tag) =	ssettag $0x2  }
0x44: {  	s0 =	rddreg [dreg:$0x0];
	s2 =	stileid.u32  }
0x45: {  	s1 =	rddreg [dreg:$0x1];
	p0 =	sne.s32 s2, $0x0  }
0x46: {  	s3 =	rddreg [dreg:$0x2];
	[bflag:$0x3] =	sbarrier.arrive $0xFFFF;
	s2 =	simm.s32 @!p0 $0x1C01  }
0x47: {  	[timem:s3], [sflag:s2] =	dma.local @!p0 [hbm:s0], s1  }
0x48: {  	s0 =	simm.s32 @!p0 $0x1  }
0x49: {  	_ =	swait.ge @!p0 [sflag:s0], s1  }
0x4a: {  	s1 =	ssub.s32 @!p0 $0x0, s1;
	[sflag:s0] =	ssyncset.done @!p0 $0x0  }
0x4b: {  	[sflag:s0] =	ssyncadd.s32 @!p0 s1  }
0x4c: {  	[bflag:$0x3] =	sbarrier.arrive $0xFFFF  }
0x4d: {  	_ =	shalt  }

</sc_bundles>
